<compile_context>
chip_gen: v7x
topology: tpu7x:2x2x1
jax: 0.10.2.dev20260603
libtpu: 0.0.44.dev20260713+nightly
codegen_flags: <defaults>
</compile_context>

<pallas_src>
import functools

import jax
import jax.numpy as jnp
from jax import lax
from jax.experimental import pallas as pl
from jax.experimental.pallas import tpu as pltpu, tpu_sc as plsc

D_MODEL = 1024
NUM_POSITIONS = 8
MAX_NODE = 15
BATCH = 16384
UNIT_D = D_MODEL // NUM_POSITIONS

NW = 32
CH = 128
BPW = BATCH // NW
CPW = BPW // CH
NB = 7
NCHUNK = CPW * NUM_POSITIONS
PAD_NODE = 16


def _sc_gather(idx, tab16):
    mesh = plsc.VectorSubcoreMesh(core_axis_name="c", subcore_axis_name="s")

    @functools.partial(
        pl.kernel,
        out_type=jax.ShapeDtypeStruct((BATCH, D_MODEL), jnp.float32),
        mesh=mesh,
        scratch_types=[
            pltpu.VMEM((NUM_POSITIONS, BPW), jnp.int32),
            pltpu.VMEM((NB, CH, UNIT_D), jnp.float32),
            pltpu.VMEM_SHARED((NUM_POSITIONS, PAD_NODE, UNIT_D), jnp.float32),
            pltpu.SemaphoreType.DMA((NB,)),
            pltpu.SemaphoreType.DMA((NB,)),
        ],
    )
    def k(idx_hbm, tab_hbm, out_hbm, idx_v, rows_v, tab_sp, gsem, ssem):
        wid = lax.axis_index("s") * 2 + lax.axis_index("c")
        b0 = wid * BPW

        @pl.when(lax.axis_index("s") == 0)
        def _copy_table():
            pltpu.sync_copy(tab_hbm, tab_sp)

        pltpu.sync_copy(idx_hbm.at[:, pl.ds(b0, BPW)], idx_v)
        plsc.subcore_barrier()

        def gather_d(j):
            i = lax.rem(j, NUM_POSITIONS)
            cb = lax.div(j, NUM_POSITIONS)
            p = lax.rem(j, NB)
            return pltpu.make_async_copy(
                tab_sp.at[i].at[idx_v.at[i, pl.ds(cb * CH, CH)]],
                rows_v.at[p], gsem.at[p])

        def store_d(j):
            i = lax.rem(j, NUM_POSITIONS)
            cb = lax.div(j, NUM_POSITIONS)
            p = lax.rem(j, NB)
            return pltpu.make_async_copy(
                rows_v.at[p],
                out_hbm.at[pl.ds(pl.multiple_of(b0 + cb * CH, CH), CH),
                           pl.ds(pl.multiple_of(i * UNIT_D, UNIT_D), UNIT_D)],
                ssem.at[p])

        LOOKAHEAD = NB - 2
        for b in range(LOOKAHEAD):
            gather_d(jnp.int32(b)).start()

        def body(j):
            jn = j + LOOKAHEAD

            @pl.when(jnp.logical_and(jn < NCHUNK, jn >= NB))
            def _drain():
                store_d(jn - NB).wait()

            gather_d(j).wait()
            store_d(j).start()

            @pl.when(jn < NCHUNK)
            def _prefetch():
                gather_d(jn).start()

        pl.loop(0, NCHUNK)(body)
        for b in range(NB):
            store_d(jnp.int32(NCHUNK - NB + b)).wait()

    return k(idx, tab16)


def kernel(positional_indices, tables):
    idx = positional_indices.astype(jnp.int32)
    tab16 = jnp.pad(tables, ((0, 0), (0, PAD_NODE - MAX_NODE), (0, 0)))
    return _sc_gather(idx, tab16)

# --- scband reference (transcript-rebuilt; emitter-appended) ---
"""Pipeline reference for scband-concat-positional-embedding-22995254903387 (READ-ONLY COPY).

The authoritative reference and input builder live on the scoring server;
editing this copy changes nothing except your own understanding.
"""

import jax, jax.numpy as jnp
import numpy as np

D_MODEL = 1024
NUM_POSITIONS = 8
MAX_NODE = 15
BATCH = 16384
UNIT_D = D_MODEL // NUM_POSITIONS  # 128; d_model % num_positions == 0 so all tables equal width


def setup_inputs(seed: int = 0) -> dict:
    key = jax.random.key(seed)
    k_idx, k_tab = jax.random.split(key)
    positional_indices = jax.random.randint(k_idx, (NUM_POSITIONS, BATCH), 0, MAX_NODE, dtype=jnp.int64 if jax.config.read('jax_enable_x64') else jnp.int32)
    # Learned parameters: one embedding table per position, nn.Embedding(max_node, unit_d)
    tables = jax.random.normal(k_tab, (NUM_POSITIONS, MAX_NODE, UNIT_D), dtype=jnp.float32)
    return {"positional_indices": positional_indices, "tables": tables}


def reference(positional_indices, tables):
    # Faithful to: torch.cat([self.embeddings[i](pos) for i, pos in enumerate(positional_indices)], dim=1)
    # dropout(p=0) is identity
    embeddings = jnp.concatenate(
        [jnp.take(tables[i], positional_indices[i], axis=0) for i in range(NUM_POSITIONS)],
        axis=1,
    )
    return embeddings

if __name__ == "__main__":
    import jax
    _d = setup_inputs()
    print(jax.jit(kernel)(*tuple(_d.values())))

</pallas_src>

<mosaic_0001>
#map = affine_map<(d0, d1) -> (0, 0)>
#map1 = affine_map<(d0, d1) -> (0, 0, 0)>
module attributes {stable_mosaic.version = 14 : i64} {
  func.func @k(%arg0: i32, %arg1: i32, %arg2: memref<8x16384xi32, #tpu.memory_space<hbm>>, %arg3: memref<8x16x128xf32, #tpu.memory_space<hbm>>, %arg4: memref<16384x1024xf32, #tpu.memory_space<hbm>>, %arg5: memref<8x512xi32, #tpu.memory_space<vmem>>, %arg6: memref<7x128x128xf32, #tpu.memory_space<vmem>>, %arg7: memref<8x16x128xf32, #tpu.memory_space<vmem_shared>>, %arg8: memref<7x!tpu.dma_semaphore, #tpu.memory_space<semaphore_mem>>, %arg9: memref<7x!tpu.dma_semaphore, #tpu.memory_space<semaphore_mem>>) attributes {dimension_semantics = [#tpu.dimension_semantics<core_parallel>, #tpu.dimension_semantics<subcore_parallel>], iteration_bounds = array<i64: 2, 16>, scalar_prefetch = 0 : i64, scratch_operands = 5 : i64, tpu.core_type = #tpu.core_type<sc_vector_subcore>, window_params = [{transform_indices = #map}, {transform_indices = #map1}, {transform_indices = #map}]} {
    %mul3A = arith.constant 2 : i32
    %mul3A_0 = arith.muli %arg1, %mul3A : i32
    %add3A = arith.addi %mul3A_0, %arg0 : i32
    %mul3A_1 = arith.constant 512 : i32
    %mul3A_2 = arith.muli %add3A, %mul3A_1 : i32
    %eq3A = arith.constant 0 : i32
    %eq3A_3 = arith.cmpi eq, %arg1, %eq3A : i32
    %convert_element_type3A = arith.extui %eq3A_3 : i1 to i32
    %cond3A = arith.constant 0 : i32
    %cond3A_4 = arith.cmpi ne, %convert_element_type3A, %cond3A : i32
    scf.if %cond3A_4 {
      "tpu.region"() ({
        %run_scoped3A = tpu.sem_alloc : memref<!tpu.dma_semaphore, #tpu.memory_space<semaphore_mem>>
        tpu.enqueue_dma source(%arg3 : memref<8x16x128xf32, #tpu.memory_space<hbm>>) target(%arg7 : memref<8x16x128xf32, #tpu.memory_space<vmem_shared>>) target_semaphore(%run_scoped3A : memref<!tpu.dma_semaphore, #tpu.memory_space<semaphore_mem>>)
        tpu.wait_dma2 semaphore(%run_scoped3A : memref<!tpu.dma_semaphore, #tpu.memory_space<semaphore_mem>>) src(%arg3 : memref<8x16x128xf32, #tpu.memory_space<hbm>>) dst(%arg7 : memref<8x16x128xf32, #tpu.memory_space<vmem_shared>>)
        tpu.yield
      }) : () -> ()
    } else {
    }
    "tpu.region"() ({
      %run_scoped3A = tpu.sem_alloc : memref<!tpu.dma_semaphore, #tpu.memory_space<semaphore_mem>>
      %dma_start3A_330 = arith.constant 0 : i32
      %dma_start3A_331 = tpu.memref_slice %arg2[%dma_start3A_330, %mul3A_2] : memref<8x16384xi32, #tpu.memory_space<hbm>> -> memref<8x512xi32, #tpu.memory_space<hbm>>
      %dma_start3A_332 = arith.constant 0 : i32
      %dma_start3A_333 = tpu.memref_slice %arg2[%dma_start3A_332, %mul3A_2] : memref<8x16384xi32, #tpu.memory_space<hbm>> -> memref<8x512xi32, #tpu.memory_space<hbm>>
      tpu.enqueue_dma source(%dma_start3A_333 : memref<8x512xi32, #tpu.memory_space<hbm>>) target(%arg5 : memref<8x512xi32, #tpu.memory_space<vmem>>) target_semaphore(%run_scoped3A : memref<!tpu.dma_semaphore, #tpu.memory_space<semaphore_mem>>)
      %dma_wait3A_334 = arith.constant 0 : i32
      %dma_wait3A_335 = tpu.memref_slice %arg2[%dma_wait3A_334, %mul3A_2] : memref<8x16384xi32, #tpu.memory_space<hbm>> -> memref<8x512xi32, #tpu.memory_space<hbm>>
      %dma_wait3A_336 = arith.constant 0 : i32
      %dma_wait3A_337 = tpu.memref_slice %arg2[%dma_wait3A_336, %mul3A_2] : memref<8x16384xi32, #tpu.memory_space<hbm>> -> memref<8x512xi32, #tpu.memory_space<hbm>>
      tpu.wait_dma2 semaphore(%run_scoped3A : memref<!tpu.dma_semaphore, #tpu.memory_space<semaphore_mem>>) src(%dma_wait3A_337 : memref<8x512xi32, #tpu.memory_space<hbm>>) dst(%arg5 : memref<8x512xi32, #tpu.memory_space<vmem>>)
      tpu.yield
    }) : () -> ()
    %barrier3A = arith.constant 0 : index
    tpu.barrier barrier_id(%barrier3A)
    %rem3A = arith.constant 0 : i32
    %rem3A_5 = arith.constant 8 : i32
    %rem3A_6 = arith.remsi %rem3A, %rem3A_5 : i32
    %div3A = arith.constant 0 : i32
    %div3A_7 = arith.constant 8 : i32
    %div3A_8 = arith.divsi %div3A, %div3A_7 : i32
    %rem3A_9 = arith.constant 0 : i32
    %rem3A_10 = arith.constant 7 : i32
    %rem3A_11 = arith.remsi %rem3A_9, %rem3A_10 : i32
    %mul3A_12 = arith.constant 128 : i32
    %mul3A_13 = arith.muli %div3A_8, %mul3A_12 : i32
    %dma_start3A = arith.constant 0 : i32
    %dma_start3A_14 = arith.constant 0 : i32
    %dma_start3A_15 = tpu.memref_slice %arg6[%rem3A_11, %dma_start3A, %dma_start3A_14] : memref<7x128x128xf32, #tpu.memory_space<vmem>> -> memref<1x128x128xf32, #tpu.memory_space<vmem>>
    %dma_start3A_16 = tpu.memref_squeeze %dma_start3A_15 : memref<1x128x128xf32, #tpu.memory_space<vmem>> -> memref<128x128xf32, #tpu.memory_space<vmem>>
    %dma_start3A_17 = tpu.memref_slice %arg5[%rem3A_6, %mul3A_13] : memref<8x512xi32, #tpu.memory_space<vmem>> -> memref<1x128xi32, #tpu.memory_space<vmem>>
    %dma_start3A_18 = tpu.memref_squeeze %dma_start3A_17 : memref<1x128xi32, #tpu.memory_space<vmem>> -> memref<128xi32, #tpu.memory_space<vmem>>
    %dma_start3A_19 = arith.constant 0 : i32
    %dma_start3A_20 = arith.constant 0 : i32
    %dma_start3A_21 = tpu.memref_slice %arg7[%rem3A_6, %dma_start3A_19, %dma_start3A_20] : memref<8x16x128xf32, #tpu.memory_space<vmem_shared>> -> memref<1x16x128xf32, #tpu.memory_space<vmem_shared>>
    %dma_start3A_22 = tpu.memref_squeeze %dma_start3A_21 : memref<1x16x128xf32, #tpu.memory_space<vmem_shared>> -> memref<16x128xf32, #tpu.memory_space<vmem_shared>>
    %dma_start3A_23 = arith.constant 0 : i32
    %dma_start3A_24 = arith.constant 0 : i32
    %dma_start3A_25 = tpu.memref_slice %dma_start3A_22[%dma_start3A_23, %dma_start3A_24] : memref<16x128xf32, #tpu.memory_space<vmem_shared>> -> memref<16x128xf32, #tpu.memory_space<vmem_shared>>
    %dma_start3A_26 = tpu.memref_slice %arg8[%rem3A_11] : memref<7x!tpu.dma_semaphore, #tpu.memory_space<semaphore_mem>> -> memref<1x!tpu.dma_semaphore, #tpu.memory_space<semaphore_mem>>
    %dma_start3A_27 = tpu.memref_squeeze %dma_start3A_26 : memref<1x!tpu.dma_semaphore, #tpu.memory_space<semaphore_mem>> -> memref<!tpu.dma_semaphore, #tpu.memory_space<semaphore_mem>>
    tpu.enqueue_indirect_dma source(%dma_start3A_25 : memref<16x128xf32, #tpu.memory_space<vmem_shared>>) target(%dma_start3A_16 : memref<128x128xf32, #tpu.memory_space<vmem>>) offsets(%dma_start3A_18 : memref<128xi32, #tpu.memory_space<vmem>>) semaphore(%dma_start3A_27 : memref<!tpu.dma_semaphore, #tpu.memory_space<semaphore_mem>>)
    %rem3A_28 = arith.constant 1 : i32
    %rem3A_29 = arith.constant 8 : i32
    %rem3A_30 = arith.remsi %rem3A_28, %rem3A_29 : i32
    %div3A_31 = arith.constant 1 : i32
    %div3A_32 = arith.constant 8 : i32
    %div3A_33 = arith.divsi %div3A_31, %div3A_32 : i32
    %rem3A_34 = arith.constant 1 : i32
    %rem3A_35 = arith.constant 7 : i32
    %rem3A_36 = arith.remsi %rem3A_34, %rem3A_35 : i32
    %mul3A_37 = arith.constant 128 : i32
    %mul3A_38 = arith.muli %div3A_33, %mul3A_37 : i32
    %dma_start3A_39 = arith.constant 0 : i32
    %dma_start3A_40 = arith.constant 0 : i32
    %dma_start3A_41 = tpu.memref_slice %arg6[%rem3A_36, %dma_start3A_39, %dma_start3A_40] : memref<7x128x128xf32, #tpu.memory_space<vmem>> -> memref<1x128x128xf32, #tpu.memory_space<vmem>>
    %dma_start3A_42 = tpu.memref_squeeze %dma_start3A_41 : memref<1x128x128xf32, #tpu.memory_space<vmem>> -> memref<128x128xf32, #tpu.memory_space<vmem>>
    %dma_start3A_43 = tpu.memref_slice %arg5[%rem3A_30, %mul3A_38] : memref<8x512xi32, #tpu.memory_space<vmem>> -> memref<1x128xi32, #tpu.memory_space<vmem>>
    %dma_start3A_44 = tpu.memref_squeeze %dma_start3A_43 : memref<1x128xi32, #tpu.memory_space<vmem>> -> memref<128xi32, #tpu.memory_space<vmem>>
    %dma_start3A_45 = arith.constant 0 : i32
    %dma_start3A_46 = arith.constant 0 : i32
    %dma_start3A_47 = tpu.memref_slice %arg7[%rem3A_30, %dma_start3A_45, %dma_start3A_46] : memref<8x16x128xf32, #tpu.memory_space<vmem_shared>> -> memref<1x16x128xf32, #tpu.memory_space<vmem_shared>>
    %dma_start3A_48 = tpu.memref_squeeze %dma_start3A_47 : memref<1x16x128xf32, #tpu.memory_space<vmem_shared>> -> memref<16x128xf32, #tpu.memory_space<vmem_shared>>
    %dma_start3A_49 = arith.constant 0 : i32
    %dma_start3A_50 = arith.constant 0 : i32
    %dma_start3A_51 = tpu.memref_slice %dma_start3A_48[%dma_start3A_49, %dma_start3A_50] : memref<16x128xf32, #tpu.memory_space<vmem_shared>> -> memref<16x128xf32, #tpu.memory_space<vmem_shared>>
    %dma_start3A_52 = tpu.memref_slice %arg8[%rem3A_36] : memref<7x!tpu.dma_semaphore, #tpu.memory_space<semaphore_mem>> -> memref<1x!tpu.dma_semaphore, #tpu.memory_space<semaphore_mem>>
    %dma_start3A_53 = tpu.memref_squeeze %dma_start3A_52 : memref<1x!tpu.dma_semaphore, #tpu.memory_space<semaphore_mem>> -> memref<!tpu.dma_semaphore, #tpu.memory_space<semaphore_mem>>
    tpu.enqueue_indirect_dma source(%dma_start3A_51 : memref<16x128xf32, #tpu.memory_space<vmem_shared>>) target(%dma_start3A_42 : memref<128x128xf32, #tpu.memory_space<vmem>>) offsets(%dma_start3A_44 : memref<128xi32, #tpu.memory_space<vmem>>) semaphore(%dma_start3A_53 : memref<!tpu.dma_semaphore, #tpu.memory_space<semaphore_mem>>)
    %rem3A_54 = arith.constant 2 : i32
    %rem3A_55 = arith.constant 8 : i32
    %rem3A_56 = arith.remsi %rem3A_54, %rem3A_55 : i32
    %div3A_57 = arith.constant 2 : i32
    %div3A_58 = arith.constant 8 : i32
    %div3A_59 = arith.divsi %div3A_57, %div3A_58 : i32
    %rem3A_60 = arith.constant 2 : i32
    %rem3A_61 = arith.constant 7 : i32
    %rem3A_62 = arith.remsi %rem3A_60, %rem3A_61 : i32
    %mul3A_63 = arith.constant 128 : i32
    %mul3A_64 = arith.muli %div3A_59, %mul3A_63 : i32
    %dma_start3A_65 = arith.constant 0 : i32
    %dma_start3A_66 = arith.constant 0 : i32
    %dma_start3A_67 = tpu.memref_slice %arg6[%rem3A_62, %dma_start3A_65, %dma_start3A_66] : memref<7x128x128xf32, #tpu.memory_space<vmem>> -> memref<1x128x128xf32, #tpu.memory_space<vmem>>
    %dma_start3A_68 = tpu.memref_squeeze %dma_start3A_67 : memref<1x128x128xf32, #tpu.memory_space<vmem>> -> memref<128x128xf32, #tpu.memory_space<vmem>>
    %dma_start3A_69 = tpu.memref_slice %arg5[%rem3A_56, %mul3A_64] : memref<8x512xi32, #tpu.memory_space<vmem>> -> memref<1x128xi32, #tpu.memory_space<vmem>>
    %dma_start3A_70 = tpu.memref_squeeze %dma_start3A_69 : memref<1x128xi32, #tpu.memory_space<vmem>> -> memref<128xi32, #tpu.memory_space<vmem>>
    %dma_start3A_71 = arith.constant 0 : i32
    %dma_start3A_72 = arith.constant 0 : i32
    %dma_start3A_73 = tpu.memref_slice %arg7[%rem3A_56, %dma_start3A_71, %dma_start3A_72] : memref<8x16x128xf32, #tpu.memory_space<vmem_shared>> -> memref<1x16x128xf32, #tpu.memory_space<vmem_shared>>
    %dma_start3A_74 = tpu.memref_squeeze %dma_start3A_73 : memref<1x16x128xf32, #tpu.memory_space<vmem_shared>> -> memref<16x128xf32, #tpu.memory_space<vmem_shared>>
    %dma_start3A_75 = arith.constant 0 : i32
    %dma_start3A_76 = arith.constant 0 : i32
    %dma_start3A_77 = tpu.memref_slice %dma_start3A_74[%dma_start3A_75, %dma_start3A_76] : memref<16x128xf32, #tpu.memory_space<vmem_shared>> -> memref<16x128xf32, #tpu.memory_space<vmem_shared>>
    %dma_start3A_78 = tpu.memref_slice %arg8[%rem3A_62] : memref<7x!tpu.dma_semaphore, #tpu.memory_space<semaphore_mem>> -> memref<1x!tpu.dma_semaphore, #tpu.memory_space<semaphore_mem>>
    %dma_start3A_79 = tpu.memref_squeeze %dma_start3A_78 : memref<1x!tpu.dma_semaphore, #tpu.memory_space<semaphore_mem>> -> memref<!tpu.dma_semaphore, #tpu.memory_space<semaphore_mem>>
    tpu.enqueue_indirect_dma source(%dma_start3A_77 : memref<16x128xf32, #tpu.memory_space<vmem_shared>>) target(%dma_start3A_68 : memref<128x128xf32, #tpu.memory_space<vmem>>) offsets(%dma_start3A_70 : memref<128xi32, #tpu.memory_space<vmem>>) semaphore(%dma_start3A_79 : memref<!tpu.dma_semaphore, #tpu.memory_space<semaphore_mem>>)
    %rem3A_80 = arith.constant 3 : i32
    %rem3A_81 = arith.constant 8 : i32
    %rem3A_82 = arith.remsi %rem3A_80, %rem3A_81 : i32
    %div3A_83 = arith.constant 3 : i32
    %div3A_84 = arith.constant 8 : i32
    %div3A_85 = arith.divsi %div3A_83, %div3A_84 : i32
    %rem3A_86 = arith.constant 3 : i32
    %rem3A_87 = arith.constant 7 : i32
    %rem3A_88 = arith.remsi %rem3A_86, %rem3A_87 : i32
    %mul3A_89 = arith.constant 128 : i32
    %mul3A_90 = arith.muli %div3A_85, %mul3A_89 : i32
    %dma_start3A_91 = arith.constant 0 : i32
    %dma_start3A_92 = arith.constant 0 : i32
    %dma_start3A_93 = tpu.memref_slice %arg6[%rem3A_88, %dma_start3A_91, %dma_start3A_92] : memref<7x128x128xf32, #tpu.memory_space<vmem>> -> memref<1x128x128xf32, #tpu.memory_space<vmem>>
    %dma_start3A_94 = tpu.memref_squeeze %dma_start3A_93 : memref<1x128x128xf32, #tpu.memory_space<vmem>> -> memref<128x128xf32, #tpu.memory_space<vmem>>
    %dma_start3A_95 = tpu.memref_slice %arg5[%rem3A_82, %mul3A_90] : memref<8x512xi32, #tpu.memory_space<vmem>> -> memref<1x128xi32, #tpu.memory_space<vmem>>
    %dma_start3A_96 = tpu.memref_squeeze %dma_start3A_95 : memref<1x128xi32, #tpu.memory_space<vmem>> -> memref<128xi32, #tpu.memory_space<vmem>>
    %dma_start3A_97 = arith.constant 0 : i32
    %dma_start3A_98 = arith.constant 0 : i32
    %dma_start3A_99 = tpu.memref_slice %arg7[%rem3A_82, %dma_start3A_97, %dma_start3A_98] : memref<8x16x128xf32, #tpu.memory_space<vmem_shared>> -> memref<1x16x128xf32, #tpu.memory_space<vmem_shared>>
    %dma_start3A_100 = tpu.memref_squeeze %dma_start3A_99 : memref<1x16x128xf32, #tpu.memory_space<vmem_shared>> -> memref<16x128xf32, #tpu.memory_space<vmem_shared>>
    %dma_start3A_101 = arith.constant 0 : i32
    %dma_start3A_102 = arith.constant 0 : i32
    %dma_start3A_103 = tpu.memref_slice %dma_start3A_100[%dma_start3A_101, %dma_start3A_102] : memref<16x128xf32, #tpu.memory_space<vmem_shared>> -> memref<16x128xf32, #tpu.memory_space<vmem_shared>>
    %dma_start3A_104 = tpu.memref_slice %arg8[%rem3A_88] : memref<7x!tpu.dma_semaphore, #tpu.memory_space<semaphore_mem>> -> memref<1x!tpu.dma_semaphore, #tpu.memory_space<semaphore_mem>>
    %dma_start3A_105 = tpu.memref_squeeze %dma_start3A_104 : memref<1x!tpu.dma_semaphore, #tpu.memory_space<semaphore_mem>> -> memref<!tpu.dma_semaphore, #tpu.memory_space<semaphore_mem>>
    tpu.enqueue_indirect_dma source(%dma_start3A_103 : memref<16x128xf32, #tpu.memory_space<vmem_shared>>) target(%dma_start3A_94 : memref<128x128xf32, #tpu.memory_space<vmem>>) offsets(%dma_start3A_96 : memref<128xi32, #tpu.memory_space<vmem>>) semaphore(%dma_start3A_105 : memref<!tpu.dma_semaphore, #tpu.memory_space<semaphore_mem>>)
    %rem3A_106 = arith.constant 4 : i32
    %rem3A_107 = arith.constant 8 : i32
    %rem3A_108 = arith.remsi %rem3A_106, %rem3A_107 : i32
    %div3A_109 = arith.constant 4 : i32
    %div3A_110 = arith.constant 8 : i32
    %div3A_111 = arith.divsi %div3A_109, %div3A_110 : i32
    %rem3A_112 = arith.constant 4 : i32
    %rem3A_113 = arith.constant 7 : i32
    %rem3A_114 = arith.remsi %rem3A_112, %rem3A_113 : i32
    %mul3A_115 = arith.constant 128 : i32
    %mul3A_116 = arith.muli %div3A_111, %mul3A_115 : i32
    %dma_start3A_117 = arith.constant 0 : i32
    %dma_start3A_118 = arith.constant 0 : i32
    %dma_start3A_119 = tpu.memref_slice %arg6[%rem3A_114, %dma_start3A_117, %dma_start3A_118] : memref<7x128x128xf32, #tpu.memory_space<vmem>> -> memref<1x128x128xf32, #tpu.memory_space<vmem>>
    %dma_start3A_120 = tpu.memref_squeeze %dma_start3A_119 : memref<1x128x128xf32, #tpu.memory_space<vmem>> -> memref<128x128xf32, #tpu.memory_space<vmem>>
    %dma_start3A_121 = tpu.memref_slice %arg5[%rem3A_108, %mul3A_116] : memref<8x512xi32, #tpu.memory_space<vmem>> -> memref<1x128xi32, #tpu.memory_space<vmem>>
    %dma_start3A_122 = tpu.memref_squeeze %dma_start3A_121 : memref<1x128xi32, #tpu.memory_space<vmem>> -> memref<128xi32, #tpu.memory_space<vmem>>
    %dma_start3A_123 = arith.constant 0 : i32
    %dma_start3A_124 = arith.constant 0 : i32
    %dma_start3A_125 = tpu.memref_slice %arg7[%rem3A_108, %dma_start3A_123, %dma_start3A_124] : memref<8x16x128xf32, #tpu.memory_space<vmem_shared>> -> memref<1x16x128xf32, #tpu.memory_space<vmem_shared>>
    %dma_start3A_126 = tpu.memref_squeeze %dma_start3A_125 : memref<1x16x128xf32, #tpu.memory_space<vmem_shared>> -> memref<16x128xf32, #tpu.memory_space<vmem_shared>>
    %dma_start3A_127 = arith.constant 0 : i32
    %dma_start3A_128 = arith.constant 0 : i32
    %dma_start3A_129 = tpu.memref_slice %dma_start3A_126[%dma_start3A_127, %dma_start3A_128] : memref<16x128xf32, #tpu.memory_space<vmem_shared>> -> memref<16x128xf32, #tpu.memory_space<vmem_shared>>
    %dma_start3A_130 = tpu.memref_slice %arg8[%rem3A_114] : memref<7x!tpu.dma_semaphore, #tpu.memory_space<semaphore_mem>> -> memref<1x!tpu.dma_semaphore, #tpu.memory_space<semaphore_mem>>
    %dma_start3A_131 = tpu.memref_squeeze %dma_start3A_130 : memref<1x!tpu.dma_semaphore, #tpu.memory_space<semaphore_mem>> -> memref<!tpu.dma_semaphore, #tpu.memory_space<semaphore_mem>>
    tpu.enqueue_indirect_dma source(%dma_start3A_129 : memref<16x128xf32, #tpu.memory_space<vmem_shared>>) target(%dma_start3A_120 : memref<128x128xf32, #tpu.memory_space<vmem>>) offsets(%dma_start3A_122 : memref<128xi32, #tpu.memory_space<vmem>>) semaphore(%dma_start3A_131 : memref<!tpu.dma_semaphore, #tpu.memory_space<semaphore_mem>>)
    %scan3A = arith.constant 0 : i32
    %scan3A_132 = arith.constant 32 : i32
    %scan3A_133 = arith.addi %scan3A, %scan3A_132 : i32
    %scan3A_134 = arith.constant 1 : i32
    scf.for %scan3A_330 = %scan3A to %scan3A_133 step %scan3A_134  : i32 {
      %mul3A_331 = arith.constant 1 : i32
      %mul3A_332 = arith.muli %scan3A_330, %mul3A_331 : i32
      %add3A_333 = arith.constant 0 : i32
      %add3A_334 = arith.addi %add3A_333, %mul3A_332 : i32
      %add3A_335 = arith.constant 5 : i32
      %add3A_336 = arith.addi %add3A_334, %add3A_335 : i32
      %lt3A = arith.constant 32 : i32
      %lt3A_337 = arith.cmpi slt, %add3A_336, %lt3A : i32
      %ge3A = arith.constant 7 : i32
      %ge3A_338 = arith.cmpi sge, %add3A_336, %ge3A : i32
      %and3A = arith.andi %lt3A_337, %ge3A_338 : i1
      %convert_element_type3A_339 = arith.extui %and3A : i1 to i32
      %cond3A_340 = arith.constant 0 : i32
      %cond3A_341 = arith.cmpi ne, %convert_element_type3A_339, %cond3A_340 : i32
      scf.if %cond3A_341 {
        %sub3A = arith.constant 7 : i32
        %sub3A_395 = arith.subi %add3A_336, %sub3A : i32
        %rem3A_396 = arith.constant 8 : i32
        %rem3A_397 = arith.remsi %sub3A_395, %rem3A_396 : i32
        %div3A_398 = arith.constant 8 : i32
        %div3A_399 = arith.divsi %sub3A_395, %div3A_398 : i32
        %rem3A_400 = arith.constant 7 : i32
        %rem3A_401 = arith.remsi %sub3A_395, %rem3A_400 : i32
        %mul3A_402 = arith.constant 128 : i32
        %mul3A_403 = arith.muli %div3A_399, %mul3A_402 : i32
        %add3A_404 = arith.addi %mul3A_2, %mul3A_403 : i32
        %multiple_of3A_405 = tpu.assume_multiple %add3A_404, 128 : i32
        %mul3A_406 = arith.constant 128 : i32
        %mul3A_407 = arith.muli %rem3A_397, %mul3A_406 : i32
        %multiple_of3A_408 = tpu.assume_multiple %mul3A_407, 128 : i32
        %dma_wait3A_409 = arith.constant 0 : i32
        %dma_wait3A_410 = arith.constant 0 : i32
        %dma_wait3A_411 = tpu.memref_slice %arg6[%rem3A_401, %dma_wait3A_409, %dma_wait3A_410] : memref<7x128x128xf32, #tpu.memory_space<vmem>> -> memref<1x128x128xf32, #tpu.memory_space<vmem>>
        %dma_wait3A_412 = tpu.memref_squeeze %dma_wait3A_411 : memref<1x128x128xf32, #tpu.memory_space<vmem>> -> memref<128x128xf32, #tpu.memory_space<vmem>>
        %dma_wait3A_413 = tpu.memref_slice %arg4[%multiple_of3A_405, %multiple_of3A_408] : memref<16384x1024xf32, #tpu.memory_space<hbm>> -> memref<128x128xf32, #tpu.memory_space<hbm>>
        %dma_wait3A_414 = tpu.memref_slice %arg9[%rem3A_401] : memref<7x!tpu.dma_semaphore, #tpu.memory_space<semaphore_mem>> -> memref<1x!tpu.dma_semaphore, #tpu.memory_space<semaphore_mem>>
        %dma_wait3A_415 = tpu.memref_squeeze %dma_wait3A_414 : memref<1x!tpu.dma_semaphore, #tpu.memory_space<semaphore_mem>> -> memref<!tpu.dma_semaphore, #tpu.memory_space<semaphore_mem>>
        %dma_wait3A_416 = tpu.memref_slice %arg4[%multiple_of3A_405, %multiple_of3A_408] : memref<16384x1024xf32, #tpu.memory_space<hbm>> -> memref<128x128xf32, #tpu.memory_space<hbm>>
        %dma_wait3A_417 = arith.constant 0 : i32
        %dma_wait3A_418 = arith.constant 0 : i32
        %dma_wait3A_419 = tpu.memref_slice %arg6[%rem3A_401, %dma_wait3A_417, %dma_wait3A_418] : memref<7x128x128xf32, #tpu.memory_space<vmem>> -> memref<1x128x128xf32, #tpu.memory_space<vmem>>
        %dma_wait3A_420 = tpu.memref_squeeze %dma_wait3A_419 : memref<1x128x128xf32, #tpu.memory_space<vmem>> -> memref<128x128xf32, #tpu.memory_space<vmem>>
        tpu.wait_dma2 semaphore(%dma_wait3A_415 : memref<!tpu.dma_semaphore, #tpu.memory_space<semaphore_mem>>) src(%dma_wait3A_420 : memref<128x128xf32, #tpu.memory_space<vmem>>) dst(%dma_wait3A_416 : memref<128x128xf32, #tpu.memory_space<hbm>>)
      } else {
      }
      %rem3A_342 = arith.constant 8 : i32
      %rem3A_343 = arith.remsi %add3A_334, %rem3A_342 : i32
      %div3A_344 = arith.constant 8 : i32
      %div3A_345 = arith.divsi %add3A_334, %div3A_344 : i32
      %rem3A_346 = arith.constant 7 : i32
      %rem3A_347 = arith.remsi %add3A_334, %rem3A_346 : i32
      %mul3A_348 = arith.constant 128 : i32
      %mul3A_349 = arith.muli %div3A_345, %mul3A_348 : i32
      %dma_wait3A_350 = arith.constant 0 : i32
      %dma_wait3A_351 = arith.constant 0 : i32
      %dma_wait3A_352 = tpu.memref_slice %arg6[%rem3A_347, %dma_wait3A_350, %dma_wait3A_351] : memref<7x128x128xf32, #tpu.memory_space<vmem>> -> memref<1x128x128xf32, #tpu.memory_space<vmem>>
      %dma_wait3A_353 = tpu.memref_squeeze %dma_wait3A_352 : memref<1x128x128xf32, #tpu.memory_space<vmem>> -> memref<128x128xf32, #tpu.memory_space<vmem>>
      %dma_wait3A_354 = tpu.memref_slice %arg5[%rem3A_343, %mul3A_349] : memref<8x512xi32, #tpu.memory_space<vmem>> -> memref<1x128xi32, #tpu.memory_space<vmem>>
      %dma_wait3A_355 = tpu.memref_squeeze %dma_wait3A_354 : memref<1x128xi32, #tpu.memory_space<vmem>> -> memref<128xi32, #tpu.memory_space<vmem>>
      %dma_wait3A_356 = arith.constant 0 : i32
      %dma_wait3A_357 = arith.constant 0 : i32
      %dma_wait3A_358 = tpu.memref_slice %arg7[%rem3A_343, %dma_wait3A_356, %dma_wait3A_357] : memref<8x16x128xf32, #tpu.memory_space<vmem_shared>> -> memref<1x16x128xf32, #tpu.memory_space<vmem_shared>>
      %dma_wait3A_359 = tpu.memref_squeeze %dma_wait3A_358 : memref<1x16x128xf32, #tpu.memory_space<vmem_shared>> -> memref<16x128xf32, #tpu.memory_space<vmem_shared>>
      %dma_wait3A_360 = arith.constant 0 : i32
      %dma_wait3A_361 = arith.constant 0 : i32
      %dma_wait3A_362 = tpu.memref_slice %dma_wait3A_359[%dma_wait3A_360, %dma_wait3A_361] : memref<16x128xf32, #tpu.memory_space<vmem_shared>> -> memref<16x128xf32, #tpu.memory_space<vmem_shared>>
      %dma_wait3A_363 = tpu.memref_slice %arg8[%rem3A_347] : memref<7x!tpu.dma_semaphore, #tpu.memory_space<semaphore_mem>> -> memref<1x!tpu.dma_semaphore, #tpu.memory_space<semaphore_mem>>
      %dma_wait3A_364 = tpu.memref_squeeze %dma_wait3A_363 : memref<1x!tpu.dma_semaphore, #tpu.memory_space<semaphore_mem>> -> memref<!tpu.dma_semaphore, #tpu.memory_space<semaphore_mem>>
      tpu.wait_indirect_dma semaphore(%dma_wait3A_364 : memref<!tpu.dma_semaphore, #tpu.memory_space<semaphore_mem>>) src(%dma_wait3A_362 : memref<16x128xf32, #tpu.memory_space<vmem_shared>>) dst(%dma_wait3A_353 : memref<128x128xf32, #tpu.memory_space<vmem>>)
      %rem3A_365 = arith.constant 8 : i32
      %rem3A_366 = arith.remsi %add3A_334, %rem3A_365 : i32
      %div3A_367 = arith.constant 8 : i32
      %div3A_368 = arith.divsi %add3A_334, %div3A_367 : i32
      %rem3A_369 = arith.constant 7 : i32
      %rem3A_370 = arith.remsi %add3A_334, %rem3A_369 : i32
      %mul3A_371 = arith.constant 128 : i32
      %mul3A_372 = arith.muli %div3A_368, %mul3A_371 : i32
      %add3A_373 = arith.addi %mul3A_2, %mul3A_372 : i32
      %multiple_of3A_374 = tpu.assume_multiple %add3A_373, 128 : i32
      %mul3A_375 = arith.constant 128 : i32
      %mul3A_376 = arith.muli %rem3A_366, %mul3A_375 : i32
      %multiple_of3A_377 = tpu.assume_multiple %mul3A_376, 128 : i32
      %dma_start3A_378 = arith.constant 0 : i32
      %dma_start3A_379 = arith.constant 0 : i32
      %dma_start3A_380 = tpu.memref_slice %arg6[%rem3A_370, %dma_start3A_378, %dma_start3A_379] : memref<7x128x128xf32, #tpu.memory_space<vmem>> -> memref<1x128x128xf32, #tpu.memory_space<vmem>>
      %dma_start3A_381 = tpu.memref_squeeze %dma_start3A_380 : memref<1x128x128xf32, #tpu.memory_space<vmem>> -> memref<128x128xf32, #tpu.memory_space<vmem>>
      %dma_start3A_382 = tpu.memref_slice %arg4[%multiple_of3A_374, %multiple_of3A_377] : memref<16384x1024xf32, #tpu.memory_space<hbm>> -> memref<128x128xf32, #tpu.memory_space<hbm>>
      %dma_start3A_383 = tpu.memref_slice %arg9[%rem3A_370] : memref<7x!tpu.dma_semaphore, #tpu.memory_space<semaphore_mem>> -> memref<1x!tpu.dma_semaphore, #tpu.memory_space<semaphore_mem>>
      %dma_start3A_384 = tpu.memref_squeeze %dma_start3A_383 : memref<1x!tpu.dma_semaphore, #tpu.memory_space<semaphore_mem>> -> memref<!tpu.dma_semaphore, #tpu.memory_space<semaphore_mem>>
      %dma_start3A_385 = tpu.memref_slice %arg4[%multiple_of3A_374, %multiple_of3A_377] : memref<16384x1024xf32, #tpu.memory_space<hbm>> -> memref<128x128xf32, #tpu.memory_space<hbm>>
      %dma_start3A_386 = arith.constant 0 : i32
      %dma_start3A_387 = arith.constant 0 : i32
      %dma_start3A_388 = tpu.memref_slice %arg6[%rem3A_370, %dma_start3A_386, %dma_start3A_387] : memref<7x128x128xf32, #tpu.memory_space<vmem>> -> memref<1x128x128xf32, #tpu.memory_space<vmem>>
      %dma_start3A_389 = tpu.memref_squeeze %dma_start3A_388 : memref<1x128x128xf32, #tpu.memory_space<vmem>> -> memref<128x128xf32, #tpu.memory_space<vmem>>
      tpu.enqueue_dma source(%dma_start3A_389 : memref<128x128xf32, #tpu.memory_space<vmem>>) target(%dma_start3A_385 : memref<128x128xf32, #tpu.memory_space<hbm>>) target_semaphore(%dma_start3A_384 : memref<!tpu.dma_semaphore, #tpu.memory_space<semaphore_mem>>)
      %lt3A_390 = arith.constant 32 : i32
      %lt3A_391 = arith.cmpi slt, %add3A_336, %lt3A_390 : i32
      %convert_element_type3A_392 = arith.extui %lt3A_391 : i1 to i32
      %cond3A_393 = arith.constant 0 : i32
      %cond3A_394 = arith.cmpi ne, %convert_element_type3A_392, %cond3A_393 : i32
      scf.if %cond3A_394 {
        %rem3A_395 = arith.constant 8 : i32
        %rem3A_396 = arith.remsi %add3A_336, %rem3A_395 : i32
        %div3A_397 = arith.constant 8 : i32
        %div3A_398 = arith.divsi %add3A_336, %div3A_397 : i32
        %rem3A_399 = arith.constant 7 : i32
        %rem3A_400 = arith.remsi %add3A_336, %rem3A_399 : i32
        %mul3A_401 = arith.constant 128 : i32
        %mul3A_402 = arith.muli %div3A_398, %mul3A_401 : i32
        %dma_start3A_403 = arith.constant 0 : i32
        %dma_start3A_404 = arith.constant 0 : i32
        %dma_start3A_405 = tpu.memref_slice %arg6[%rem3A_400, %dma_start3A_403, %dma_start3A_404] : memref<7x128x128xf32, #tpu.memory_space<vmem>> -> memref<1x128x128xf32, #tpu.memory_space<vmem>>
        %dma_start3A_406 = tpu.memref_squeeze %dma_start3A_405 : memref<1x128x128xf32, #tpu.memory_space<vmem>> -> memref<128x128xf32, #tpu.memory_space<vmem>>
        %dma_start3A_407 = tpu.memref_slice %arg5[%rem3A_396, %mul3A_402] : memref<8x512xi32, #tpu.memory_space<vmem>> -> memref<1x128xi32, #tpu.memory_space<vmem>>
        %dma_start3A_408 = tpu.memref_squeeze %dma_start3A_407 : memref<1x128xi32, #tpu.memory_space<vmem>> -> memref<128xi32, #tpu.memory_space<vmem>>
        %dma_start3A_409 = arith.constant 0 : i32
        %dma_start3A_410 = arith.constant 0 : i32
        %dma_start3A_411 = tpu.memref_slice %arg7[%rem3A_396, %dma_start3A_409, %dma_start3A_410] : memref<8x16x128xf32, #tpu.memory_space<vmem_shared>> -> memref<1x16x128xf32, #tpu.memory_space<vmem_shared>>
        %dma_start3A_412 = tpu.memref_squeeze %dma_start3A_411 : memref<1x16x128xf32, #tpu.memory_space<vmem_shared>> -> memref<16x128xf32, #tpu.memory_space<vmem_shared>>
        %dma_start3A_413 = arith.constant 0 : i32
        %dma_start3A_414 = arith.constant 0 : i32
        %dma_start3A_415 = tpu.memref_slice %dma_start3A_412[%dma_start3A_413, %dma_start3A_414] : memref<16x128xf32, #tpu.memory_space<vmem_shared>> -> memref<16x128xf32, #tpu.memory_space<vmem_shared>>
        %dma_start3A_416 = tpu.memref_slice %arg8[%rem3A_400] : memref<7x!tpu.dma_semaphore, #tpu.memory_space<semaphore_mem>> -> memref<1x!tpu.dma_semaphore, #tpu.memory_space<semaphore_mem>>
        %dma_start3A_417 = tpu.memref_squeeze %dma_start3A_416 : memref<1x!tpu.dma_semaphore, #tpu.memory_space<semaphore_mem>> -> memref<!tpu.dma_semaphore, #tpu.memory_space<semaphore_mem>>
        tpu.enqueue_indirect_dma source(%dma_start3A_415 : memref<16x128xf32, #tpu.memory_space<vmem_shared>>) target(%dma_start3A_406 : memref<128x128xf32, #tpu.memory_space<vmem>>) offsets(%dma_start3A_408 : memref<128xi32, #tpu.memory_space<vmem>>) semaphore(%dma_start3A_417 : memref<!tpu.dma_semaphore, #tpu.memory_space<semaphore_mem>>)
      } else {
      }
    }
    %scan3A_135 = arith.constant 32 : i32
    %rem3A_136 = arith.constant 25 : i32
    %rem3A_137 = arith.constant 8 : i32
    %rem3A_138 = arith.remsi %rem3A_136, %rem3A_137 : i32
    %div3A_139 = arith.constant 25 : i32
    %div3A_140 = arith.constant 8 : i32
    %div3A_141 = arith.divsi %div3A_139, %div3A_140 : i32
    %rem3A_142 = arith.constant 25 : i32
    %rem3A_143 = arith.constant 7 : i32
    %rem3A_144 = arith.remsi %rem3A_142, %rem3A_143 : i32
    %mul3A_145 = arith.constant 128 : i32
    %mul3A_146 = arith.muli %div3A_141, %mul3A_145 : i32
    %add3A_147 = arith.addi %mul3A_2, %mul3A_146 : i32
    %multiple_of3A = tpu.assume_multiple %add3A_147, 128 : i32
    %mul3A_148 = arith.constant 128 : i32
    %mul3A_149 = arith.muli %rem3A_138, %mul3A_148 : i32
    %multiple_of3A_150 = tpu.assume_multiple %mul3A_149, 128 : i32
    %dma_wait3A = arith.constant 0 : i32
    %dma_wait3A_151 = arith.constant 0 : i32
    %dma_wait3A_152 = tpu.memref_slice %arg6[%rem3A_144, %dma_wait3A, %dma_wait3A_151] : memref<7x128x128xf32, #tpu.memory_space<vmem>> -> memref<1x128x128xf32, #tpu.memory_space<vmem>>
    %dma_wait3A_153 = tpu.memref_squeeze %dma_wait3A_152 : memref<1x128x128xf32, #tpu.memory_space<vmem>> -> memref<128x128xf32, #tpu.memory_space<vmem>>
    %dma_wait3A_154 = tpu.memref_slice %arg4[%multiple_of3A, %multiple_of3A_150] : memref<16384x1024xf32, #tpu.memory_space<hbm>> -> memref<128x128xf32, #tpu.memory_space<hbm>>
    %dma_wait3A_155 = tpu.memref_slice %arg9[%rem3A_144] : memref<7x!tpu.dma_semaphore, #tpu.memory_space<semaphore_mem>> -> memref<1x!tpu.dma_semaphore, #tpu.memory_space<semaphore_mem>>
    %dma_wait3A_156 = tpu.memref_squeeze %dma_wait3A_155 : memref<1x!tpu.dma_semaphore, #tpu.memory_space<semaphore_mem>> -> memref<!tpu.dma_semaphore, #tpu.memory_space<semaphore_mem>>
    %dma_wait3A_157 = tpu.memref_slice %arg4[%multiple_of3A, %multiple_of3A_150] : memref<16384x1024xf32, #tpu.memory_space<hbm>> -> memref<128x128xf32, #tpu.memory_space<hbm>>
    %dma_wait3A_158 = arith.constant 0 : i32
    %dma_wait3A_159 = arith.constant 0 : i32
    %dma_wait3A_160 = tpu.memref_slice %arg6[%rem3A_144, %dma_wait3A_158, %dma_wait3A_159] : memref<7x128x128xf32, #tpu.memory_space<vmem>> -> memref<1x128x128xf32, #tpu.memory_space<vmem>>
    %dma_wait3A_161 = tpu.memref_squeeze %dma_wait3A_160 : memref<1x128x128xf32, #tpu.memory_space<vmem>> -> memref<128x128xf32, #tpu.memory_space<vmem>>
    tpu.wait_dma2 semaphore(%dma_wait3A_156 : memref<!tpu.dma_semaphore, #tpu.memory_space<semaphore_mem>>) src(%dma_wait3A_161 : memref<128x128xf32, #tpu.memory_space<vmem>>) dst(%dma_wait3A_157 : memref<128x128xf32, #tpu.memory_space<hbm>>)
    %rem3A_162 = arith.constant 26 : i32
    %rem3A_163 = arith.constant 8 : i32
    %rem3A_164 = arith.remsi %rem3A_162, %rem3A_163 : i32
    %div3A_165 = arith.constant 26 : i32
    %div3A_166 = arith.constant 8 : i32
    %div3A_167 = arith.divsi %div3A_165, %div3A_166 : i32
    %rem3A_168 = arith.constant 26 : i32
    %rem3A_169 = arith.constant 7 : i32
    %rem3A_170 = arith.remsi %rem3A_168, %rem3A_169 : i32
    %mul3A_171 = arith.constant 128 : i32
    %mul3A_172 = arith.muli %div3A_167, %mul3A_171 : i32
    %add3A_173 = arith.addi %mul3A_2, %mul3A_172 : i32
    %multiple_of3A_174 = tpu.assume_multiple %add3A_173, 128 : i32
    %mul3A_175 = arith.constant 128 : i32
    %mul3A_176 = arith.muli %rem3A_164, %mul3A_175 : i32
    %multiple_of3A_177 = tpu.assume_multiple %mul3A_176, 128 : i32
    %dma_wait3A_178 = arith.constant 0 : i32
    %dma_wait3A_179 = arith.constant 0 : i32
    %dma_wait3A_180 = tpu.memref_slice %arg6[%rem3A_170, %dma_wait3A_178, %dma_wait3A_179] : memref<7x128x128xf32, #tpu.memory_space<vmem>> -> memref<1x128x128xf32, #tpu.memory_space<vmem>>
    %dma_wait3A_181 = tpu.memref_squeeze %dma_wait3A_180 : memref<1x128x128xf32, #tpu.memory_space<vmem>> -> memref<128x128xf32, #tpu.memory_space<vmem>>
    %dma_wait3A_182 = tpu.memref_slice %arg4[%multiple_of3A_174, %multiple_of3A_177] : memref<16384x1024xf32, #tpu.memory_space<hbm>> -> memref<128x128xf32, #tpu.memory_space<hbm>>
    %dma_wait3A_183 = tpu.memref_slice %arg9[%rem3A_170] : memref<7x!tpu.dma_semaphore, #tpu.memory_space<semaphore_mem>> -> memref<1x!tpu.dma_semaphore, #tpu.memory_space<semaphore_mem>>
    %dma_wait3A_184 = tpu.memref_squeeze %dma_wait3A_183 : memref<1x!tpu.dma_semaphore, #tpu.memory_space<semaphore_mem>> -> memref<!tpu.dma_semaphore, #tpu.memory_space<semaphore_mem>>
    %dma_wait3A_185 = tpu.memref_slice %arg4[%multiple_of3A_174, %multiple_of3A_177] : memref<16384x1024xf32, #tpu.memory_space<hbm>> -> memref<128x128xf32, #tpu.memory_space<hbm>>
    %dma_wait3A_186 = arith.constant 0 : i32
    %dma_wait3A_187 = arith.constant 0 : i32
    %dma_wait3A_188 = tpu.memref_slice %arg6[%rem3A_170, %dma_wait3A_186, %dma_wait3A_187] : memref<7x128x128xf32, #tpu.memory_space<vmem>> -> memref<1x128x128xf32, #tpu.memory_space<vmem>>
    %dma_wait3A_189 = tpu.memref_squeeze %dma_wait3A_188 : memref<1x128x128xf32, #tpu.memory_space<vmem>> -> memref<128x128xf32, #tpu.memory_space<vmem>>
    tpu.wait_dma2 semaphore(%dma_wait3A_184 : memref<!tpu.dma_semaphore, #tpu.memory_space<semaphore_mem>>) src(%dma_wait3A_189 : memref<128x128xf32, #tpu.memory_space<vmem>>) dst(%dma_wait3A_185 : memref<128x128xf32, #tpu.memory_space<hbm>>)
    %rem3A_190 = arith.constant 27 : i32
    %rem3A_191 = arith.constant 8 : i32
    %rem3A_192 = arith.remsi %rem3A_190, %rem3A_191 : i32
    %div3A_193 = arith.constant 27 : i32
    %div3A_194 = arith.constant 8 : i32
    %div3A_195 = arith.divsi %div3A_193, %div3A_194 : i32
    %rem3A_196 = arith.constant 27 : i32
    %rem3A_197 = arith.constant 7 : i32
    %rem3A_198 = arith.remsi %rem3A_196, %rem3A_197 : i32
    %mul3A_199 = arith.constant 128 : i32
    %mul3A_200 = arith.muli %div3A_195, %mul3A_199 : i32
    %add3A_201 = arith.addi %mul3A_2, %mul3A_200 : i32
    %multiple_of3A_202 = tpu.assume_multiple %add3A_201, 128 : i32
    %mul3A_203 = arith.constant 128 : i32
    %mul3A_204 = arith.muli %rem3A_192, %mul3A_203 : i32
    %multiple_of3A_205 = tpu.assume_multiple %mul3A_204, 128 : i32
    %dma_wait3A_206 = arith.constant 0 : i32
    %dma_wait3A_207 = arith.constant 0 : i32
    %dma_wait3A_208 = tpu.memref_slice %arg6[%rem3A_198, %dma_wait3A_206, %dma_wait3A_207] : memref<7x128x128xf32, #tpu.memory_space<vmem>> -> memref<1x128x128xf32, #tpu.memory_space<vmem>>
    %dma_wait3A_209 = tpu.memref_squeeze %dma_wait3A_208 : memref<1x128x128xf32, #tpu.memory_space<vmem>> -> memref<128x128xf32, #tpu.memory_space<vmem>>
    %dma_wait3A_210 = tpu.memref_slice %arg4[%multiple_of3A_202, %multiple_of3A_205] : memref<16384x1024xf32, #tpu.memory_space<hbm>> -> memref<128x128xf32, #tpu.memory_space<hbm>>
    %dma_wait3A_211 = tpu.memref_slice %arg9[%rem3A_198] : memref<7x!tpu.dma_semaphore, #tpu.memory_space<semaphore_mem>> -> memref<1x!tpu.dma_semaphore, #tpu.memory_space<semaphore_mem>>
    %dma_wait3A_212 = tpu.memref_squeeze %dma_wait3A_211 : memref<1x!tpu.dma_semaphore, #tpu.memory_space<semaphore_mem>> -> memref<!tpu.dma_semaphore, #tpu.memory_space<semaphore_mem>>
    %dma_wait3A_213 = tpu.memref_slice %arg4[%multiple_of3A_202, %multiple_of3A_205] : memref<16384x1024xf32, #tpu.memory_space<hbm>> -> memref<128x128xf32, #tpu.memory_space<hbm>>
    %dma_wait3A_214 = arith.constant 0 : i32
    %dma_wait3A_215 = arith.constant 0 : i32
    %dma_wait3A_216 = tpu.memref_slice %arg6[%rem3A_198, %dma_wait3A_214, %dma_wait3A_215] : memref<7x128x128xf32, #tpu.memory_space<vmem>> -> memref<1x128x128xf32, #tpu.memory_space<vmem>>
    %dma_wait3A_217 = tpu.memref_squeeze %dma_wait3A_216 : memref<1x128x128xf32, #tpu.memory_space<vmem>> -> memref<128x128xf32, #tpu.memory_space<vmem>>
    tpu.wait_dma2 semaphore(%dma_wait3A_212 : memref<!tpu.dma_semaphore, #tpu.memory_space<semaphore_mem>>) src(%dma_wait3A_217 : memref<128x128xf32, #tpu.memory_space<vmem>>) dst(%dma_wait3A_213 : memref<128x128xf32, #tpu.memory_space<hbm>>)
    %rem3A_218 = arith.constant 28 : i32
    %rem3A_219 = arith.constant 8 : i32
    %rem3A_220 = arith.remsi %rem3A_218, %rem3A_219 : i32
    %div3A_221 = arith.constant 28 : i32
    %div3A_222 = arith.constant 8 : i32
    %div3A_223 = arith.divsi %div3A_221, %div3A_222 : i32
    %rem3A_224 = arith.constant 28 : i32
    %rem3A_225 = arith.constant 7 : i32
    %rem3A_226 = arith.remsi %rem3A_224, %rem3A_225 : i32
    %mul3A_227 = arith.constant 128 : i32
    %mul3A_228 = arith.muli %div3A_223, %mul3A_227 : i32
    %add3A_229 = arith.addi %mul3A_2, %mul3A_228 : i32
    %multiple_of3A_230 = tpu.assume_multiple %add3A_229, 128 : i32
    %mul3A_231 = arith.constant 128 : i32
    %mul3A_232 = arith.muli %rem3A_220, %mul3A_231 : i32
    %multiple_of3A_233 = tpu.assume_multiple %mul3A_232, 128 : i32
    %dma_wait3A_234 = arith.constant 0 : i32
    %dma_wait3A_235 = arith.constant 0 : i32
    %dma_wait3A_236 = tpu.memref_slice %arg6[%rem3A_226, %dma_wait3A_234, %dma_wait3A_235] : memref<7x128x128xf32, #tpu.memory_space<vmem>> -> memref<1x128x128xf32, #tpu.memory_space<vmem>>
    %dma_wait3A_237 = tpu.memref_squeeze %dma_wait3A_236 : memref<1x128x128xf32, #tpu.memory_space<vmem>> -> memref<128x128xf32, #tpu.memory_space<vmem>>
    %dma_wait3A_238 = tpu.memref_slice %arg4[%multiple_of3A_230, %multiple_of3A_233] : memref<16384x1024xf32, #tpu.memory_space<hbm>> -> memref<128x128xf32, #tpu.memory_space<hbm>>
    %dma_wait3A_239 = tpu.memref_slice %arg9[%rem3A_226] : memref<7x!tpu.dma_semaphore, #tpu.memory_space<semaphore_mem>> -> memref<1x!tpu.dma_semaphore, #tpu.memory_space<semaphore_mem>>
    %dma_wait3A_240 = tpu.memref_squeeze %dma_wait3A_239 : memref<1x!tpu.dma_semaphore, #tpu.memory_space<semaphore_mem>> -> memref<!tpu.dma_semaphore, #tpu.memory_space<semaphore_mem>>
    %dma_wait3A_241 = tpu.memref_slice %arg4[%multiple_of3A_230, %multiple_of3A_233] : memref<16384x1024xf32, #tpu.memory_space<hbm>> -> memref<128x128xf32, #tpu.memory_space<hbm>>
    %dma_wait3A_242 = arith.constant 0 : i32
    %dma_wait3A_243 = arith.constant 0 : i32
    %dma_wait3A_244 = tpu.memref_slice %arg6[%rem3A_226, %dma_wait3A_242, %dma_wait3A_243] : memref<7x128x128xf32, #tpu.memory_space<vmem>> -> memref<1x128x128xf32, #tpu.memory_space<vmem>>
    %dma_wait3A_245 = tpu.memref_squeeze %dma_wait3A_244 : memref<1x128x128xf32, #tpu.memory_space<vmem>> -> memref<128x128xf32, #tpu.memory_space<vmem>>
    tpu.wait_dma2 semaphore(%dma_wait3A_240 : memref<!tpu.dma_semaphore, #tpu.memory_space<semaphore_mem>>) src(%dma_wait3A_245 : memref<128x128xf32, #tpu.memory_space<vmem>>) dst(%dma_wait3A_241 : memref<128x128xf32, #tpu.memory_space<hbm>>)
    %rem3A_246 = arith.constant 29 : i32
    %rem3A_247 = arith.constant 8 : i32
    %rem3A_248 = arith.remsi %rem3A_246, %rem3A_247 : i32
    %div3A_249 = arith.constant 29 : i32
    %div3A_250 = arith.constant 8 : i32
    %div3A_251 = arith.divsi %div3A_249, %div3A_250 : i32
    %rem3A_252 = arith.constant 29 : i32
    %rem3A_253 = arith.constant 7 : i32
    %rem3A_254 = arith.remsi %rem3A_252, %rem3A_253 : i32
    %mul3A_255 = arith.constant 128 : i32
    %mul3A_256 = arith.muli %div3A_251, %mul3A_255 : i32
    %add3A_257 = arith.addi %mul3A_2, %mul3A_256 : i32
    %multiple_of3A_258 = tpu.assume_multiple %add3A_257, 128 : i32
    %mul3A_259 = arith.constant 128 : i32
    %mul3A_260 = arith.muli %rem3A_248, %mul3A_259 : i32
    %multiple_of3A_261 = tpu.assume_multiple %mul3A_260, 128 : i32
    %dma_wait3A_262 = arith.constant 0 : i32
    %dma_wait3A_263 = arith.constant 0 : i32
    %dma_wait3A_264 = tpu.memref_slice %arg6[%rem3A_254, %dma_wait3A_262, %dma_wait3A_263] : memref<7x128x128xf32, #tpu.memory_space<vmem>> -> memref<1x128x128xf32, #tpu.memory_space<vmem>>
    %dma_wait3A_265 = tpu.memref_squeeze %dma_wait3A_264 : memref<1x128x128xf32, #tpu.memory_space<vmem>> -> memref<128x128xf32, #tpu.memory_space<vmem>>
    %dma_wait3A_266 = tpu.memref_slice %arg4[%multiple_of3A_258, %multiple_of3A_261] : memref<16384x1024xf32, #tpu.memory_space<hbm>> -> memref<128x128xf32, #tpu.memory_space<hbm>>
    %dma_wait3A_267 = tpu.memref_slice %arg9[%rem3A_254] : memref<7x!tpu.dma_semaphore, #tpu.memory_space<semaphore_mem>> -> memref<1x!tpu.dma_semaphore, #tpu.memory_space<semaphore_mem>>
    %dma_wait3A_268 = tpu.memref_squeeze %dma_wait3A_267 : memref<1x!tpu.dma_semaphore, #tpu.memory_space<semaphore_mem>> -> memref<!tpu.dma_semaphore, #tpu.memory_space<semaphore_mem>>
    %dma_wait3A_269 = tpu.memref_slice %arg4[%multiple_of3A_258, %multiple_of3A_261] : memref<16384x1024xf32, #tpu.memory_space<hbm>> -> memref<128x128xf32, #tpu.memory_space<hbm>>
    %dma_wait3A_270 = arith.constant 0 : i32
    %dma_wait3A_271 = arith.constant 0 : i32
    %dma_wait3A_272 = tpu.memref_slice %arg6[%rem3A_254, %dma_wait3A_270, %dma_wait3A_271] : memref<7x128x128xf32, #tpu.memory_space<vmem>> -> memref<1x128x128xf32, #tpu.memory_space<vmem>>
    %dma_wait3A_273 = tpu.memref_squeeze %dma_wait3A_272 : memref<1x128x128xf32, #tpu.memory_space<vmem>> -> memref<128x128xf32, #tpu.memory_space<vmem>>
    tpu.wait_dma2 semaphore(%dma_wait3A_268 : memref<!tpu.dma_semaphore, #tpu.memory_space<semaphore_mem>>) src(%dma_wait3A_273 : memref<128x128xf32, #tpu.memory_space<vmem>>) dst(%dma_wait3A_269 : memref<128x128xf32, #tpu.memory_space<hbm>>)
    %rem3A_274 = arith.constant 30 : i32
    %rem3A_275 = arith.constant 8 : i32
    %rem3A_276 = arith.remsi %rem3A_274, %rem3A_275 : i32
    %div3A_277 = arith.constant 30 : i32
    %div3A_278 = arith.constant 8 : i32
    %div3A_279 = arith.divsi %div3A_277, %div3A_278 : i32
    %rem3A_280 = arith.constant 30 : i32
    %rem3A_281 = arith.constant 7 : i32
    %rem3A_282 = arith.remsi %rem3A_280, %rem3A_281 : i32
    %mul3A_283 = arith.constant 128 : i32
    %mul3A_284 = arith.muli %div3A_279, %mul3A_283 : i32
    %add3A_285 = arith.addi %mul3A_2, %mul3A_284 : i32
    %multiple_of3A_286 = tpu.assume_multiple %add3A_285, 128 : i32
    %mul3A_287 = arith.constant 128 : i32
    %mul3A_288 = arith.muli %rem3A_276, %mul3A_287 : i32
    %multiple_of3A_289 = tpu.assume_multiple %mul3A_288, 128 : i32
    %dma_wait3A_290 = arith.constant 0 : i32
    %dma_wait3A_291 = arith.constant 0 : i32
    %dma_wait3A_292 = tpu.memref_slice %arg6[%rem3A_282, %dma_wait3A_290, %dma_wait3A_291] : memref<7x128x128xf32, #tpu.memory_space<vmem>> -> memref<1x128x128xf32, #tpu.memory_space<vmem>>
    %dma_wait3A_293 = tpu.memref_squeeze %dma_wait3A_292 : memref<1x128x128xf32, #tpu.memory_space<vmem>> -> memref<128x128xf32, #tpu.memory_space<vmem>>
    %dma_wait3A_294 = tpu.memref_slice %arg4[%multiple_of3A_286, %multiple_of3A_289] : memref<16384x1024xf32, #tpu.memory_space<hbm>> -> memref<128x128xf32, #tpu.memory_space<hbm>>
    %dma_wait3A_295 = tpu.memref_slice %arg9[%rem3A_282] : memref<7x!tpu.dma_semaphore, #tpu.memory_space<semaphore_mem>> -> memref<1x!tpu.dma_semaphore, #tpu.memory_space<semaphore_mem>>
    %dma_wait3A_296 = tpu.memref_squeeze %dma_wait3A_295 : memref<1x!tpu.dma_semaphore, #tpu.memory_space<semaphore_mem>> -> memref<!tpu.dma_semaphore, #tpu.memory_space<semaphore_mem>>
    %dma_wait3A_297 = tpu.memref_slice %arg4[%multiple_of3A_286, %multiple_of3A_289] : memref<16384x1024xf32, #tpu.memory_space<hbm>> -> memref<128x128xf32, #tpu.memory_space<hbm>>
    %dma_wait3A_298 = arith.constant 0 : i32
    %dma_wait3A_299 = arith.constant 0 : i32
    %dma_wait3A_300 = tpu.memref_slice %arg6[%rem3A_282, %dma_wait3A_298, %dma_wait3A_299] : memref<7x128x128xf32, #tpu.memory_space<vmem>> -> memref<1x128x128xf32, #tpu.memory_space<vmem>>
    %dma_wait3A_301 = tpu.memref_squeeze %dma_wait3A_300 : memref<1x128x128xf32, #tpu.memory_space<vmem>> -> memref<128x128xf32, #tpu.memory_space<vmem>>
    tpu.wait_dma2 semaphore(%dma_wait3A_296 : memref<!tpu.dma_semaphore, #tpu.memory_space<semaphore_mem>>) src(%dma_wait3A_301 : memref<128x128xf32, #tpu.memory_space<vmem>>) dst(%dma_wait3A_297 : memref<128x128xf32, #tpu.memory_space<hbm>>)
    %rem3A_302 = arith.constant 31 : i32
    %rem3A_303 = arith.constant 8 : i32
    %rem3A_304 = arith.remsi %rem3A_302, %rem3A_303 : i32
    %div3A_305 = arith.constant 31 : i32
    %div3A_306 = arith.constant 8 : i32
    %div3A_307 = arith.divsi %div3A_305, %div3A_306 : i32
    %rem3A_308 = arith.constant 31 : i32
    %rem3A_309 = arith.constant 7 : i32
    %rem3A_310 = arith.remsi %rem3A_308, %rem3A_309 : i32
    %mul3A_311 = arith.constant 128 : i32
    %mul3A_312 = arith.muli %div3A_307, %mul3A_311 : i32
    %add3A_313 = arith.addi %mul3A_2, %mul3A_312 : i32
    %multiple_of3A_314 = tpu.assume_multiple %add3A_313, 128 : i32
    %mul3A_315 = arith.constant 128 : i32
    %mul3A_316 = arith.muli %rem3A_304, %mul3A_315 : i32
    %multiple_of3A_317 = tpu.assume_multiple %mul3A_316, 128 : i32
    %dma_wait3A_318 = arith.constant 0 : i32
    %dma_wait3A_319 = arith.constant 0 : i32
    %dma_wait3A_320 = tpu.memref_slice %arg6[%rem3A_310, %dma_wait3A_318, %dma_wait3A_319] : memref<7x128x128xf32, #tpu.memory_space<vmem>> -> memref<1x128x128xf32, #tpu.memory_space<vmem>>
    %dma_wait3A_321 = tpu.memref_squeeze %dma_wait3A_320 : memref<1x128x128xf32, #tpu.memory_space<vmem>> -> memref<128x128xf32, #tpu.memory_space<vmem>>
    %dma_wait3A_322 = tpu.memref_slice %arg4[%multiple_of3A_314, %multiple_of3A_317] : memref<16384x1024xf32, #tpu.memory_space<hbm>> -> memref<128x128xf32, #tpu.memory_space<hbm>>
    %dma_wait3A_323 = tpu.memref_slice %arg9[%rem3A_310] : memref<7x!tpu.dma_semaphore, #tpu.memory_space<semaphore_mem>> -> memref<1x!tpu.dma_semaphore, #tpu.memory_space<semaphore_mem>>
    %dma_wait3A_324 = tpu.memref_squeeze %dma_wait3A_323 : memref<1x!tpu.dma_semaphore, #tpu.memory_space<semaphore_mem>> -> memref<!tpu.dma_semaphore, #tpu.memory_space<semaphore_mem>>
    %dma_wait3A_325 = tpu.memref_slice %arg4[%multiple_of3A_314, %multiple_of3A_317] : memref<16384x1024xf32, #tpu.memory_space<hbm>> -> memref<128x128xf32, #tpu.memory_space<hbm>>
    %dma_wait3A_326 = arith.constant 0 : i32
    %dma_wait3A_327 = arith.constant 0 : i32
    %dma_wait3A_328 = tpu.memref_slice %arg6[%rem3A_310, %dma_wait3A_326, %dma_wait3A_327] : memref<7x128x128xf32, #tpu.memory_space<vmem>> -> memref<1x128x128xf32, #tpu.memory_space<vmem>>
    %dma_wait3A_329 = tpu.memref_squeeze %dma_wait3A_328 : memref<1x128x128xf32, #tpu.memory_space<vmem>> -> memref<128x128xf32, #tpu.memory_space<vmem>>
    tpu.wait_dma2 semaphore(%dma_wait3A_324 : memref<!tpu.dma_semaphore, #tpu.memory_space<semaphore_mem>>) src(%dma_wait3A_329 : memref<128x128xf32, #tpu.memory_space<vmem>>) dst(%dma_wait3A_325 : memref<128x128xf32, #tpu.memory_space<hbm>>)
    return
  }
}

</mosaic_0001>

<sc_bundles>
// kernel: kernel.3.cloned.1.call-start
scs
__scs_entry_jumppad:
0x0: {  	(pc) =	sbr.rel $0x88, $3  }
0x1: {  	(tag) =	ssettag $0x0;
	lr =	simm.s32 $0x1  }
0x2: {  	[smem:$0x3F9F] =	sst lr;
	_ =	strace $0xD0000000  }
0x3: {  	_ = 	snop  }
0x4: {  	_ = 	snop  }
0x5: {  	_ = 	snop  }
0x6: {  	_ = 	snop  }
0x7: {  	_ = 	snop  }
__scs_overlays_trampoline_lowered:
0x8: {  	[smem:$0x3FAE] =	sst s0  }
0x9: {  	[smem:$0x3FAF] =	sst s1  }
0xa: {  	[smem:$0x3FB0] =	sst s2  }
0xb: {  	[smem:$0x3FB1] =	sst s3  }
0xc: {  	[smem:$0x3FB2] =	sst s4  }
0xd: {  	[smem:$0x3FB3] =	sst s5  }
0xe: {  	[smem:$0x3FB4] =	sst s6  }
0xf: {  	[smem:$0x3FB5] =	sst s7  }
0x10: {  	[smem:$0x3FB6] =	sst s8  }
0x11: {  	[smem:$0x3FB7] =	sst s9;
	s0 =	simm.s32 @!p0 $0x0  }
0x12: {  	s1 =	sld [smem:$0x3F9D];
	s0 =	simm.s32 @p0 $0x1  }
0x13: {  	[smem:$0x3FB8] =	sst s0;
	s0 =	simm.s32 @!p1 $0x0  }
0x14: {  	s2 =	sld [smem:$0x3F9C];
	s0 =	simm.s32 @p1 $0x1  }
0x15: {  	[smem:$0x3FB9] =	sst s0;
	s0 =	simm.s32 @!p2 $0x0  }
0x16: {  	s3 =	sld [smem:$0x3FDB];
	s0 =	simm.s32 @p2 $0x1  }
0x17: {  	s4 =	simm.s32 $0x1BF5;
	[smem:$0x3FBB] =	sst s0  }
0x18: {  	s0 =	sld [smem:$0x3F9E];
	_ =	swait.ge [sflag:s4], $0x0  }
0x19: {  	s7 =	sld [smem:$0x3F9F]  }
0x1a: {  	s8 =	sadd.s32 $0xFFFFE003, lr  }
0x1b: {  	s9 =	sadd.s32 $0xFFFFFEF7, lr;
	s5 =	simm.s32 $0xFFFFFFFF;
	p2 =	slt.u32 s8, $0xFFFFF086  }
0x1c: {  	p1 =	slt.u32 s9, $0xF7A;
	s5 =	simm.s32 @!p2 $0x0  }
0x1d: {  	s5 =	simm.s32 @p1 $0x1;
	p0 =	seq.s32 s7, s2  }
0x1e: {  	s7 =	smul.u32 @!p0 $0xF7A, s2;
	p2 =	seq.s32 @!p0 s5, $0x0  }
0x1f: {  	s9 =	smul.u32 $0xF7A, s1;
	s8 =	simm.s32 @!p0 $0x1BF5;
	p2 =	por !p2, p0  }
0x20: {  	[sflag:s8] =	ssyncset.s32 @!p0 $0xFFFFF086;
	s6 =	sadd.s32 @!p0 s3, s7;
	s7 =	simm.s32 @!p0 $0x108  }
0x21: {  	s3 =	sadd.s32 s3, s9;
	s6 =	sadd.s32 @!p0 $0x88, s6;
	s7 =	simm.s32 @p2 $0x1082  }
0x22: {  	[simem:s7], [sflag:s8] =	dma.local @!p0 [hbm:s6], $0xF7A  }
0x23: {  	s9 =	sor.u32 $0xD0000000, s2;
	s6 =	simm.s32 $0x108;
	_ =	swait.ge @!p0 [sflag:s8], $0x0  }
0x24: {  	s3 =	sadd.s32 $0x88, s3;
	s6 =	simm.s32 @!p1 $0x1082;
	[sflag:s4] =	ssyncset.s32 $0xFFFFF086  }
0x25: {  	[simem:s6], [sflag:s4] =	dma.local [hbm:s3], $0xF7A  }
0x26: {  	[smem:$0x3F9F] =	sst s1;
	(tag) =	ssettag s2;
	_ =	strace s9  }
0x27: {  	s1 =	sld [smem:$0x3FAF]  }
0x28: {  	s2 =	sld [smem:$0x3FB0]  }
0x29: {  	s4 =	sld [smem:$0x3FB2]  }
0x2a: {  	p0 =	seq.s32 s5, $0x0;
	s5 =	sld [smem:$0x3FB3]  }
0x2b: {  	s6 =	sld [smem:$0x3FB4]  }
0x2c: {  	s7 =	sld [smem:$0x3FB5]  }
0x2d: {  	s3 =	simm.s32 $0x108;
	s8 =	sld [smem:$0x3FB6]  }
0x2e: {  	s3 =	simm.s32 @!p0 $0x1082;
	s9 =	sld [smem:$0x3FB7]  }
0x2f: {  	lr =	sadd.s32 s0, s3;
	s0 =	sld [smem:$0x3FAE]  }
0x30: {  	s3 =	sld [smem:$0x3FB1]  }
0x31: {  	[smem:$0x3FBA] =	sst s10  }
0x32: {  	s10 =	sld [smem:$0x3FB8];
	_ =	sdelay $0x3  }
0x33: {  	p0 =	seq.s32 s10, $0x1;
	s10 =	sld [smem:$0x3FBA];
	_ =	sdelay $0x3  }
0x34: {  	[smem:$0x3FBA] =	sst s10  }
0x35: {  	s10 =	sld [smem:$0x3FB9];
	_ =	sdelay $0x3  }
0x36: {  	p1 =	seq.s32 s10, $0x1;
	s10 =	sld [smem:$0x3FBA];
	_ =	sdelay $0x3  }
0x37: {  	[smem:$0x3FBA] =	sst s10  }
0x38: {  	s10 =	sld [smem:$0x3FBB]  }
0x39: {  	_ = 	snop;
	(pc) =	sbr.ind lr, $3  }
0x3a: {  	_ = 	snop  }
0x3b: {  	_ = 	snop  }
0x3c: {  	p2 =	seq.s32 s10, $0x1;
	s10 =	sld [smem:$0x3FBA]  }
0x3d: {  	_ =	shalt  }
0x3e: {  	_ =	shalt  }
0x3f: {  	_ =	shalt  }
0x40: {  	_ =	shalt  }
0x41: {  	_ =	shalt  }
0x42: {  	_ =	shalt  }
0x43: {  	_ =	shalt  }
0x44: {  	_ =	shalt  }
0x45: {  	_ =	shalt  }
0x46: {  	_ =	shalt  }
0x47: {  	_ =	shalt  }
0x48: {  	_ =	shalt  }
0x49: {  	_ =	shalt  }
0x4a: {  	_ =	shalt  }
0x4b: {  	_ =	shalt  }
0x4c: {  	_ =	shalt  }
0x4d: {  	_ =	shalt  }
0x4e: {  	_ =	shalt  }
0x4f: {  	_ =	shalt  }
0x50: {  	_ =	shalt  }
0x51: {  	_ =	shalt  }
0x52: {  	_ =	shalt  }
0x53: {  	_ =	shalt  }
0x54: {  	_ =	shalt  }
0x55: {  	_ =	shalt  }
0x56: {  	_ =	shalt  }
0x57: {  	_ =	shalt  }
0x58: {  	_ =	shalt  }
0x59: {  	_ =	shalt  }
0x5a: {  	_ =	shalt  }
0x5b: {  	_ =	shalt  }
0x5c: {  	_ =	shalt  }
0x5d: {  	_ =	shalt  }
0x5e: {  	_ =	shalt  }
0x5f: {  	_ =	shalt  }
0x60: {  	_ =	shalt  }
0x61: {  	_ =	shalt  }
0x62: {  	_ =	shalt  }
0x63: {  	_ =	shalt  }
0x64: {  	_ =	shalt  }
0x65: {  	_ =	shalt  }
0x66: {  	_ =	shalt  }
0x67: {  	_ =	shalt  }
0x68: {  	_ =	shalt  }
0x69: {  	_ =	shalt  }
0x6a: {  	_ =	shalt  }
0x6b: {  	_ =	shalt  }
0x6c: {  	_ =	shalt  }
0x6d: {  	_ =	shalt  }
0x6e: {  	_ =	shalt  }
0x6f: {  	_ =	shalt  }
0x70: {  	_ =	shalt  }
0x71: {  	_ =	shalt  }
0x72: {  	_ =	shalt  }
0x73: {  	_ =	shalt  }
0x74: {  	_ =	shalt  }
0x75: {  	_ =	shalt  }
0x76: {  	_ =	shalt  }
0x77: {  	_ =	shalt  }
0x78: {  	_ =	shalt  }
0x79: {  	_ =	shalt  }
0x7a: {  	_ =	shalt  }
0x7b: {  	_ =	shalt  }
0x7c: {  	_ =	shalt  }
0x7d: {  	_ =	shalt  }
0x7e: {  	_ =	shalt  }
0x7f: {  	_ =	shalt  }
0x80: {  	_ =	shalt  }
0x81: {  	_ =	shalt  }
0x82: {  	_ =	shalt  }
0x83: {  	_ =	shalt  }
0x84: {  	_ =	shalt  }
0x85: {  	_ =	shalt  }
0x86: {  	_ =	shalt  }
0x87: {  	_ =	shalt  }
.Lfunc_end0:
.L_simem_size_0:
called_computation_lowered:
.L_overlay_start_0:
0x88: {  	s2 =	sld [smem:$0x3FD9]  }
0x89: {  	s3 =	sld [smem:$0x3FFE];
	_ =	sdelay $0x1  }
0x8a: {  	s1 =	srdreg.scid  }
0x8b: {  	s0 =	sand.u32 $0x1, s1  }
0x8c: {  	s17 =	sshll.u32 s0, $0xA;
	s2 =	sadd.s32 s3, s2  }
0x8d: {  	s2 =	sadd.s32 s2, s17  }
0x8e: {  	[smem:$0x3FC6] =	sst s2  }
0x8f: {  	_ = 	snop  }
0x90: {  	s2 =	sld [smem:$0x3FC9]  }
0x91: {  	s18 =	sld [smem:$0x3FD0];
	(tm) =	ssettm $0x1  }
0x92: {  	s4 =	sld [smem:$0x3FFB];
	_ =	sdelay $0x3  }
0x93: {  	_ =	strace s4  }
0x94: {  	s4 =	sld [smem:$0x3FFC];
	_ =	sdelay $0x3  }
0x95: {  	_ =	strace s4  }
0x96: {  	s4 =	sld [smem:$0x3FFD];
	_ =	sdelay $0x3  }
0x97: {  	_ =	strace s4  }
0x98: {  	_ =	strace $0x8FFFFFFF  }
0x99: {  	s19 =	sld [smem:$0x3FDB];
	_ =	sdelay $0x1  }
0x9a: {  	s5 =	simm.s32 $_scs_section_size  }
0x9b: {  	s6 =	simm.s32 $_size__tile_overlayer_lowered;
	s7 =	simm.s32 $_tile_overlayer_lowered  }
0x9c: {  	s22 =	simm.s32 $0x1BFF;
	s21 =	sshll.u32 s7, $0x1;
	s4 =	sadd.s32 s5, s19  }
0x9d: {  	s8 =	simm.s32 $0x0;
	s20 =	sshll.u32 s6, $0x1;
	s6 =	sadd.s32 s21, s4  }
0x9e: {  	[timem:s8], [sflag:s22] =	dma.local [hbm:s6], s20  }
0x9f: {  	_ =	swait.ge [sflag:s22], s20  }
0xa0: {  	s5 =	ssub.s32 $0x0, s20;
	[sflag:s22] =	ssyncset.done $0x0  }
0xa1: {  	[sflag:s22] =	ssyncadd.s32 s5;
	_ =	sdelay $0x1  }
0xa2: {  	s23 =	simm.s32 $0x1B8B  }
0xa3: {  	_ =	swait.ge [sflag:s23], $0x1  }
0xa4: {  	[sflag:s23] =	ssyncset.done $0x0  }
0xa5: {  	s25 =	simm.s32 $0x1B8E;
	s24 =	sld [smem:$0x3FFE];
	[sflag:s23] =	ssyncadd.s32 $0xFFFFFFFF  }
0xa6: {  	s26 =	simm.s32 $execute0_lowered;
	[smem:$0x3FD2] =	sst s25  }
0xa7: {  	s6 =	sshll.u32 s26, $0x1;
	_ =	strace $0x80000046;
	[dreg:$0x1] =	wrdreg $0xFFFFFFFF  }
0xa8: {  	s28 =	simm.s32 $_size_execute0_lowered;
	s4 =	sadd.s32 s4, s6;
	[dreg:$0x0] =	wrdreg $0x0  }
0xa9: {  	s6 =	sshll.u32 s28, $0x1;
	[dreg:$0x2] =	wrdreg s4  }
0xaa: {  	[dreg:$0x3] =	wrdreg s6  }
0xab: {  	[dreg:$0x4] =	wrdreg $0xC0  }
0xac: {  	_ =	task [dreg:s8], $0x5FFFF  }
0xad: {  	[dreg:$0x1] =	wrdreg $0xFFFFFFFF  }
0xae: {  	[dreg:$0x0] =	wrdreg $0x60  }
0xaf: {  	[dreg:$0x2] =	wrdreg s2  }
0xb0: {  	[dreg:$0x3] =	wrdreg s24  }
0xb1: {  	[dreg:$0x4] =	wrdreg s18  }
0xb2: {  	[dreg:$0x5] =	wrdreg $0x1D0000  }
0xb3: {  	[dreg:$0x6] =	wrdreg $0x9  }
0xb4: {  	_ =	task.clear_ibuf [dreg:s8], $0x7FFFF;
	_ =	strace $0x90000046  }
0xb5: {  	s29 =	simm.s32 $0x9;
	_ =	strace $0x80000048  }
0xb6: {  	_ =	swait.ge [sflag:s29], $0x1  }
0xb7: {  	[sflag:s29] =	ssyncadd.s32 $0xFFFFFFFF  }
0xb8: {  	_ =	strace $0x90000048  }
0xb9: {  	_ =	sfence  }
0xba: {  	s30 =	sld [smem:$0x0];
	_ =	sdelay $0x2  }
0xbb: {  	s31 =	sshll.u32 s1, $0xD;
	s1 =	sshrl.u32 s1, $0x2  }
0xbc: {  	s3 =	sand.u32 $0x4000, s31;
	s1 =	sadd.s32 s1, s30  }
0xbd: {  	s0 =	sor.u32 s3, s0;
	s1 =	sshll.u32 s1, $0x11  }
0xbe: {  	s0 =	sor.u32 s1, s0  }
0xbf: {  	s0 =	sadd.s32 $0x8F2B, s0  }
0xc0: {  	[sflag:s0] =	ssyncadd.remote.s32 $0x1  }
0xc1: {  	_ =	sfence.sel $0xFFFF  }
0xc2: {  	[dreg:$0x0] =	wrdreg $0xFFFFFFFF;
	(pc) =	sbr.abs _section_cstart, $3  }
0xc3: {  	[dreg:$0x1] =	wrdreg $0xFFFFFFFF  }
0xc4: {  	_ =	task.clear_ibuf [dreg:s8], $0x2FFFF;
	_ =	strace $0x9FFFFFFF  }
0xc5: {  	(tm) =	ssettm $0x7FFFFFFF  }
tec
execute0_lowered:
.L_overlay_start_1:
0x0: {  	(tag) =	ssettag $0x1  }
0x1: {  	s0 =	rddreg [dreg:$0x0]  }
0x2: {  	s3 =	rddreg [dreg:$0x1]  }
0x3: {  	s1 =	rddreg [dreg:$0x2]  }
0x4: {  	s2 =	simm.s32 $0x0;
	s4 =	srdreg.scid;
	s10 =	stileid.u32  }
0x5: {  	s12 =	simm.s32 $0xF;
	s13 =	simm.s32 $0x80;
	s26 =	simm.s32 $0x400  }
0x6: {  	s31 =	simm.s32 $0x2000;
	s28 =	simm.s32 $0xA;
	[dreg:$0x5] =	wrdreg s1  }
0x7: {  	s29 =	simm.s32 $0xB;
	s30 =	simm.s32 $0x0;
	s1 =	rddreg [dreg:$0x3]  }
0x8: {  	[smem:$0x7FF] =	sst s2;
	s4 =	sand.u32 $0x1, s4;
	s3 =	sadd.s32 $0x400, s3  }
0x9: {  	s7 =	sshll.u32 s10, $0xA;
	_ =	strace $0x80000047;
	[dreg:$0x8] =	wrdreg s3  }
0xa: {  	p0 =	sne.s32 s10, $0x0;
	s5 =	ssub.s32 $0x2, s4;
	[dreg:$0x7] =	wrdreg s26  }
0xb: {  	s4 =	sshll.u32 s4, $0x9;
	s21 =	sadd.s32 $0x800, s1;
	[dreg:$0x6] =	wrdreg s31  }
0xc: {  	s22 =	sadd.s32 $0x1000, s1;
	s23 =	sadd.s32 $0x1800, s1;
	[dreg:$0xa] =	wrdreg s21  }
0xd: {  	s24 =	sadd.s32 $0x2000, s1;
	s26 =	simm.s32 $0x9;
	[dreg:$0xb] =	wrdreg s22  }
0xe: {  	s6 =	sshrl.u32 s5, $0x1;
	s4 =	sor.u32 s4, s7;
	[dreg:$0xc] =	wrdreg s23  }
0xf: {  	[dreg:$0xd] =	wrdreg s24;
	s11 =	ssub.s32 s5, s6;
	s0 =	sadd.s32 s0, s4  }
0x10: {  	s22 =	simm.s32 $0xC;
	[dreg:$0x9] =	wrdreg s0;
	s25 =	smax.u32 s11, $0x1  }
0x11: {  	s23 =	simm.s32 $0xD;
	s0 =	sshrl.u32 @!p0 s1, $0x3;
	[dreg:$0xe] =	wrdreg s25  }
0x12: {  	s24 =	simm.s32 $0xE;
	[dreg:$0xf] =	wrdreg s0;
	s25 =	simm.s32 $0x8  }
.LBB2_1:
0x13: {  	s3 =	rddreg [dreg:$0x8]  }
0x14: {  	s0 =	simm.s32 @!p0 $0x1C0F;
	s5 =	rddreg [dreg:$0xf]  }
0x15: {  	[spmem:s5], [sflag:s0] =	dma.local @!p0 [hbm:s3], $0x800  }
0x16: {  	s0 =	simm.s32 @!p0 $0xF  }
0x17: {  	_ =	swait.ge @!p0 [sflag:s0], $0x800  }
0x18: {  	[sflag:s0] =	ssyncset.done @!p0 $0x0  }
0x19: {  	s10 =	rddreg [dreg:$0x9];
	[sflag:s0] =	ssyncadd.s32 @!p0 $0xFFFFF800  }
0x1a: {  	[tilespmem:s2], [sflag:$0xF] =	stream.linear.gather [hbm4b:s10+s2], $0x1000, $0x38;
	[tilespmem:$0x1D400] =	vst v63  }
0x1b: {  	s11 =	simm.s32 $0x1000;
	s15 =	simm.s32 $0x5000;
	_ =	swait.ge [sflag:s12], $0x1000  }
0x1c: {  	s17 =	simm.s32 $0x100;
	s18 =	simm.s32 $0x9000;
	[sflag:s12] =	ssyncset.done $0x0  }
0x1d: {  	p2 =	por $0x1, $0x1;
	s0 =	simm.s32 $0xFFFFFFFE;
	[sflag:s12] =	ssyncadd.s32 $0xFFFFF000  }
0x1e: {  	s20 =	simm.s32 $0x180;
	s0 =	smul.u32 @!p2 $0x25, s0;
	[bflag:$0x0] =	sbarrier.arrive $0xFFFF  }
0x1f: {  	[tilespmem:s11], [sflag:$0x1] =	stream.indirect.gather [spmem:s1], $0x80, s2, s13, $0xb8;
	[tilespmem:$0x1D400] =	vst v63  }
0x20: {  	s21 =	simm.s32 $0xD000;
	s7 =	simm.s32 $0x200;
	s14 =	rddreg [dreg:$0xa]  }
0x21: {  	s6 =	simm.s32 $0x11000;
	s0 =	sshrl.u32 @!p2 s0, $0x8;
	s16 =	rddreg [dreg:$0xb]  }
0x22: {  	[tilespmem:s15], [sflag:$0x2] =	stream.indirect.gather [spmem:s14], $0x80, s13, s13, $0xb8;
	[tilespmem:$0x1D400] =	vst v63  }
0x23: {  	p1 =	por $0x0, $0x0;
	s19 =	rddreg [dreg:$0xc];
	s15 =	ssub.s32 @!p2 $0xFFFFFFFE, s0  }
0x24: {  	s5 =	rddreg [dreg:$0xd];
	s14 =	simm.s32 $0x0;
	s15 =	sand.u32 @!p2 $0xFE, s15  }
0x25: {  	[tilespmem:s18], [sflag:$0x3] =	stream.indirect.gather [spmem:s16], $0x80, s17, s13, $0xb8;
	[tilespmem:$0x1D400] =	vst v63  }
0x26: {  	s16 =	smul.u32 $0x25, s14;
	s15 =	sshrl.u32 @!p2 s15, $0x1;
	s17 =	simm.s32 $0xA000  }
0x27: {  	[tilespmem:s21], [sflag:$0x4] =	stream.indirect.gather [spmem:s19], $0x80, s20, s13, $0xb8;
	[tilespmem:$0x1D400] =	vst v63  }
0x28: {  	s14 =	sand.u32 $0x7, s14;
	s0 =	sadd.s32 @!p2 s0, s15;
	s16 =	sshrl.u32 s16, $0x8  }
0x29: {  	s14 =	sor.u32 s4, s14;
	s0 =	sand.u32 @!p2 $0xFC, s0;
	s8 =	ssub.s32 $0x0, s16  }
0x2a: {  	[tilespmem:s6], [sflag:$0x5] =	stream.indirect.gather [spmem:s5], $0x80, s7, s13, $0xb8;
	[tilespmem:$0x1D400] =	vst v63  }
0x2b: {  	s17 =	sand.u32 @!p1 $0xE000, s17;
	s0 =	sshrl.u32 @!p2 s0, $0x2;
	s15 =	sand.u32 $0xFE, s8  }
0x2c: {  	s19 =	simm.s32 $0xA00;
	s0 =	smul.u32 @!p2 $0x7, s0;
	s15 =	sshrl.u32 s15, $0x1  }
0x2d: {  	s21 =	sand.u32 $0xC000, s2;
	s15 =	sadd.s32 s16, s15;
	s16 =	simm.s32 $0x5  }
0x2e: {  	s0 =	ssub.s32 @!p2 $0xFFFFFFFE, s0;
	s15 =	sand.u32 $0xFC, s15;
	s16 =	smul.u32 @!p1 $0x25, s16  }
0x2f: {  	s14 =	sshll.u32 s14, $0x7;
	s0 =	sor.u32 @!p2 $0x8, s0;
	s15 =	sshrl.u32 s15, $0x2  }
0x30: {  	s0 =	sand.u32 @!p2 $0xFF, s0;
	s15 =	smul.u32 $0x7, s15;
	s16 =	sshrl.u32 @!p1 s16, $0x8  }
0x31: {  	s17 =	sshrl.u32 @!p1 s17, $0x2;
	_ =	swait.ge @!p2 [sflag:s0], $0x4000;
	s18 =	ssub.s32 @!p1 $0x5, s16  }
0x32: {  	[sflag:s0] =	ssyncset.done @!p2 $0x0;
	s15 =	ssub.s32 $0x0, s15;
	s18 =	sand.u32 @!p1 $0xFE, s18  }
0x33: {  	[sflag:s0] =	ssyncadd.s32 @!p2 $0xFFFFC000;
	s15 =	sand.u32 $0xFF, s15;
	s18 =	sshrl.u32 @!p1 s18, $0x1  }
0x34: {  	s9 =	sadd.s32 $0x1, s15;
	s16 =	sadd.s32 @!p1 s16, s18;
	s18 =	simm.s32 $0x280  }
0x35: {  	s11 =	sshll.u32 s15, $0xE;
	s15 =	sor.u32 $0x8, s15;
	_ =	swait.ge [sflag:s9], $0x4000  }
0x36: {  	s16 =	sand.u32 @!p1 $0xFC, s16;
	s0 =	sor.u32 $0x1000, s11;
	s20 =	rddreg [dreg:$0x5]  }
0x37: {  	s3 =	sand.u32 @!p1 $0x380, s18;
	s16 =	sshrl.u32 @!p1 s16, $0x2;
	s31 =	rddreg [dreg:$0x7]  }
0x38: {  	s10 =	rddreg [dreg:$0x6];
	[sflag:s9] =	ssyncset.done $0x0;
	s20 =	sadd.s32 s20, s21  }
0x39: {  	s16 =	smul.u32 @!p1 $0x7, s16;
	[sflag:s9] =	ssyncadd.s32 $0xFFFFC000;
	s14 =	sadd.s32 s14, s20  }
0x3a: {  	[hbm4b:s14+s31] =	stream.strided.scatter [tilespmem:s0], [sflag:s15], $0x4000, s10, s31, $0x38;
	[tilespmem:$0x1D400] =	vst v63  }
0x3b: {  	s21 =	sand.u32 @!p1 $0x7000, s19;
	s20 =	sadd.s32 @!p1 s17, s1;
	s16 =	ssub.s32 @!p1 $0x5, s16  }
0x3c: {  	s31 =	simm.s32 $0xFFFFFFFF;
	s0 =	simm.s32 $0x800;
	s16 =	sand.u32 @!p1 $0xFF, s16  }
0x3d: {  	s14 =	simm.s32 $0xC00;
	s15 =	simm.s32 $0x300;
	s19 =	sshll.u32 @!p1 s16, $0xE  }
0x3e: {  	s18 =	sadd.s32 @!p1 $0x1, s16;
	s16 =	sshrl.u32 @!p1 s21, $0x2;
	s21 =	simm.s32 @!p1 $0x80  }
0x3f: {  	s19 =	sor.u32 @!p1 $0x1000, s19;
	s17 =	sor.u32 @!p1 s3, s16;
	s16 =	simm.s32 $0xC000  }
.LBB2_2:
0x40: {  	[tilespmem:s19], [sflag:s18] =	stream.indirect.gather @!p1 [spmem:s20], $0x80, s17, s21, $0xb8;
	[tilespmem:$0x1D400] =	vst v63  }
0x41: {  	p2 =	sne.s32 s31, $0x1D  }
0x42: {  	s3 =	smov.u32 s31;
	s31 =	sadd.s32 $0x1, s31;
	s10 =	smov.u32 s0  }
0x43: {  	s18 =	smov.u32 s14;
	s19 =	smov.u32 s15;
	s0 =	sadd.s32 $0x800, s0  }
0x44: {  	s14 =	sadd.s32 $0x200, s14;
	s15 =	sadd.s32 $0x80, s15;
	p3 =	sgt.u32 s3, $0x18  }
0x45: {  	s17 =	sand.u32 $0xC000, s10;
	s21 =	sadd.s32 $0x2, s3;
	s20 =	smul.u32 @!p3 $0x25, s3  }
0x46: {  	s5 =	sadd.s32 $0x7, s3;
	p1 =	sgt.u32 s21, $0x1A;
	s7 =	smul.u32 $0x25, s21  }
0x47: {  	s8 =	sand.u32 $0x7, s21;
	s9 =	smul.u32 @!p1 $0x25, s5;
	s20 =	sshrl.u32 @!p3 s20, $0x8  }
0x48: {  	s8 =	sor.u32 s4, s8;
	s7 =	sshrl.u32 s7, $0x8;
	s6 =	ssub.s32 @!p3 s3, s20  }
0x49: {  	s8 =	sshll.u32 s8, $0x7;
	s9 =	sshrl.u32 @!p1 s9, $0x8;
	s6 =	sand.u32 @!p3 $0xFE, s6  }
0x4a: {  	s11 =	ssub.s32 s21, s7;
	s10 =	ssub.s32 @!p1 s5, s9;
	s6 =	sshrl.u32 @!p3 s6, $0x1  }
0x4b: {  	s10 =	sand.u32 @!p1 $0xFE, s10;
	s6 =	sadd.s32 @!p3 s20, s6;
	s20 =	sand.u32 $0xFE, s11  }
0x4c: {  	s10 =	sshrl.u32 @!p1 s10, $0x1;
	s6 =	sand.u32 @!p3 $0xFC, s6;
	s20 =	sshrl.u32 s20, $0x1  }
0x4d: {  	s9 =	sadd.s32 @!p1 s9, s10;
	s6 =	sshrl.u32 @!p3 s6, $0x2;
	s7 =	sadd.s32 s7, s20  }
0x4e: {  	s10 =	sand.u32 @!p1 $0x7000, s18;
	s6 =	smul.u32 @!p3 $0x7, s6;
	s7 =	sand.u32 $0xFC, s7  }
0x4f: {  	s10 =	sshrl.u32 @!p1 s10, $0x2;
	s20 =	sshrl.u32 s7, $0x2;
	s7 =	sand.u32 @!p1 $0xFC, s9  }
0x50: {  	s9 =	sand.u32 @!p1 $0xE000, s16;
	s16 =	sadd.s32 $0x2000, s16;
	s3 =	ssub.s32 @!p3 s3, s6  }
0x51: {  	s6 =	smul.u32 $0x7, s20;
	s7 =	sshrl.u32 @!p1 s7, $0x2;
	s9 =	sshrl.u32 @!p1 s9, $0x2  }
0x52: {  	s3 =	sor.u32 @!p3 $0x8, s3;
	s7 =	smul.u32 @!p1 $0x7, s7;
	s20 =	sadd.s32 @!p1 s9, s1  }
0x53: {  	s3 =	sand.u32 @!p3 $0xFF, s3;
	s6 =	ssub.s32 s21, s6;
	s21 =	sand.u32 @!p1 $0x380, s19  }
0x54: {  	_ =	swait.ge @!p3 [sflag:s3], $0x4000;
	s6 =	sand.u32 $0xFF, s6;
	s5 =	ssub.s32 @!p1 s5, s7  }
0x55: {  	[sflag:s3] =	ssyncset.done @!p3 $0x0;
	s7 =	sshll.u32 s6, $0xE;
	s5 =	sand.u32 @!p1 $0xFF, s5  }
0x56: {  	[sflag:s3] =	ssyncadd.s32 @!p3 $0xFFFFC000;
	s3 =	sadd.s32 $0x1, s6;
	s19 =	sshll.u32 @!p1 s5, $0xE  }
0x57: {  	s18 =	sadd.s32 @!p1 $0x1, s5;
	s6 =	sor.u32 $0x8, s6;
	_ =	swait.ge [sflag:s3], $0x4000  }
.Ltmp0:
0x58: {  	s7 =	sor.u32 $0x1000, s7;
	s11 =	rddreg [dreg:$0x5];
	(pc) =	sbr.rel @p2 .LBB2_2-.Ltmp0, $4  }
0x59: {  	s5 =	rddreg [dreg:$0x7];
	[sflag:s3] =	ssyncset.done $0x0;
	s11 =	sadd.s32 s11, s17  }
0x5a: {  	s9 =	rddreg [dreg:$0x6];
	[sflag:s3] =	ssyncadd.s32 $0xFFFFC000;
	s17 =	sadd.s32 s8, s11  }
0x5b: {  	[hbm4b:s17+s5] =	stream.strided.scatter [tilespmem:s7], [sflag:s6], $0x4000, s9, s5, $0x38;
	[tilespmem:$0x1D400] =	vst v63  }
0x5c: {  	s19 =	sor.u32 @!p1 $0x1000, s19;
	s17 =	sor.u32 @!p1 s21, s10;
	s21 =	simm.s32 @!p1 $0x80  }
0x5d: {  	[tilespmem:s19], [sflag:s18] =	stream.indirect.gather @!p1 [spmem:s20], $0x80, s17, s21, $0xb8;
	[tilespmem:$0x1D400] =	vst v63  }
0x5e: {  	_ =	swait.ge [sflag:s22], $0x4000  }
0x5f: {  	[sflag:s22] =	ssyncset.done $0x0  }
0x60: {  	[sflag:s22] =	ssyncadd.s32 $0xFFFFC000  }
0x61: {  	_ =	swait.ge [sflag:s23], $0x4000  }
0x62: {  	[sflag:s23] =	ssyncset.done $0x0  }
0x63: {  	[sflag:s23] =	ssyncadd.s32 $0xFFFFC000  }
0x64: {  	_ =	swait.ge [sflag:s24], $0x4000  }
0x65: {  	[sflag:s24] =	ssyncset.done $0x0  }
0x66: {  	[sflag:s24] =	ssyncadd.s32 $0xFFFFC000  }
0x67: {  	_ =	swait.ge [sflag:s25], $0x4000  }
0x68: {  	[sflag:s25] =	ssyncset.done $0x0  }
0x69: {  	[sflag:s25] =	ssyncadd.s32 $0xFFFFC000  }
0x6a: {  	_ =	swait.ge [sflag:s26], $0x4000  }
0x6b: {  	[sflag:s26] =	ssyncset.done $0x0  }
0x6c: {  	[sflag:s26] =	ssyncadd.s32 $0xFFFFC000  }
0x6d: {  	_ =	swait.ge [sflag:s28], $0x4000  }
0x6e: {  	[sflag:s28] =	ssyncset.done $0x0  }
0x6f: {  	[sflag:s28] =	ssyncadd.s32 $0xFFFFC000  }
0x70: {  	_ =	swait.ge [sflag:s29], $0x4000  }
0x71: {  	s30 =	sadd.s32 $0x1, s30;
	s0 =	rddreg [dreg:$0xe]  }
0x72: {  	p1 =	sne.s32 s30, s0  }
.Ltmp1:
0x73: {  	_ = 	snop;
	(pc) =	sbr.rel @p1 .LBB2_1-.Ltmp1, $3  }
0x74: {  	_ =	sdelay $0x1  }
0x75: {  	[sflag:s29] =	ssyncset.done $0x0  }
0x76: {  	[sflag:s29] =	ssyncadd.s32 $0xFFFFC000  }
0x77: {  	_ =	sfence.sel $0x180000  }
0x78: {  	[bflag:$0x0] =	sbarrier.arrive $0xFFFF  }
0x79: {  	_ =	strace $0x90000047  }
0x7a: {  	[bflag:$0x2] =	sbarrier.arrive $0xFFFF  }
0x7b: {  	s0 =	rddreg [dreg:$0x4]  }
0x7c: {  	s0 =	sadd.s32 @!p0 $0x100000, s0  }
0x7d: {  	[sflag:s0] =	ssyncadd.tile.s32 @!p0 $0x1;
	_ =	shalt  }
.Lfunc_end2:
_tile_overlayer_lowered:
.L_overlay_start_2:
0x7e: {  	(tag) =	ssettag $0x2  }
0x7f: {  	s0 =	rddreg [dreg:$0x0];
	s2 =	stileid.u32  }
0x80: {  	s1 =	rddreg [dreg:$0x1];
	p0 =	sne.s32 s2, $0x0  }
0x81: {  	s3 =	rddreg [dreg:$0x2];
	[bflag:$0x3] =	sbarrier.arrive $0xFFFF;
	s2 =	simm.s32 @!p0 $0x1C0F  }
0x82: {  	[timem:s3], [sflag:s2] =	dma.local @!p0 [hbm:s0], s1  }
0x83: {  	s0 =	simm.s32 @!p0 $0xF  }
0x84: {  	_ =	swait.ge @!p0 [sflag:s0], s1  }
0x85: {  	s1 =	ssub.s32 @!p0 $0x0, s1;
	[sflag:s0] =	ssyncset.done @!p0 $0x0  }
0x86: {  	[sflag:s0] =	ssyncadd.s32 @!p0 s1  }
0x87: {  	[bflag:$0x3] =	sbarrier.arrive $0xFFFF  }
0x88: {  	_ =	shalt  }

</sc_bundles>
